<compile_context>
chip_gen: v7x
topology: tpu7x:2x2x1
jax: 0.10.2.dev20260603
libtpu: 0.0.44.dev20260713+nightly
codegen_flags: <defaults>
</compile_context>

<pallas_src>
import functools

import jax
import jax.numpy as jnp
from jax import lax
from jax.experimental import pallas as pl
from jax.experimental.pallas import tpu as pltpu
from jax.experimental.pallas import tpu_sc as plsc

N_CORES = 2
N_SUBCORES = 16
N_WORKERS = N_CORES * N_SUBCORES


def _gather_chunked(table_hbm, idx_hbm, out_hbm, idx_v, rows_v,
                    sem_a, sem_b, base, b, h):
    pltpu.sync_copy(idx_hbm.at[pl.ds(base, h)], idx_v.at[pl.ds(0, h)])
    g1 = pltpu.async_copy(
        table_hbm.at[idx_v.at[pl.ds(0, h)]], rows_v.at[pl.ds(0, h)], sem_a)
    pltpu.sync_copy(idx_hbm.at[pl.ds(base + h, b - h)],
                    idx_v.at[pl.ds(h, b - h)])
    g2 = pltpu.async_copy(
        table_hbm.at[idx_v.at[pl.ds(h, b - h)]],
        rows_v.at[pl.ds(h, b - h)], sem_b)
    g1.wait()
    pltpu.sync_copy(rows_v.at[pl.ds(0, h)], out_hbm.at[pl.ds(base, h)])
    g2.wait()
    pltpu.sync_copy(rows_v.at[pl.ds(h, b - h)],
                    out_hbm.at[pl.ds(base + h, b - h)])


def _gather_body(b_full, b_last, table_hbm, idx_hbm, out_hbm,
                 idx_v, rows_v, sem_a, sem_b):
    wid = lax.axis_index("s") * N_CORES + lax.axis_index("c")

    @pl.when(wid < N_WORKERS - 1)
    def _full():
        base = wid * b_full
        _gather_chunked(table_hbm, idx_hbm, out_hbm, idx_v, rows_v,
                        sem_a, sem_b, base, b_full, (b_full // 16) * 8)

    if b_last > 0:
        @pl.when(wid == N_WORKERS - 1)
        def _ragged():
            base = (N_WORKERS - 1) * b_full
            h = (b_last // 16) * 8
            _gather_chunked(table_hbm, idx_hbm, out_hbm, idx_v, rows_v,
                            sem_a, sem_b, base, b_last, h)


def _flatten_padded(a):
    n_rows = a.shape[0]
    n_pad = -(-n_rows // 1024) * 1024
    if n_pad != n_rows:
        a = jnp.pad(a, ((0, n_pad - n_rows), (0, 0)))
    return a.reshape(-1)


def _make_gather(n, b_full, b_last, name):
    mesh = plsc.VectorSubcoreMesh(
        core_axis_name="c", subcore_axis_name="s",
        num_cores=N_CORES, num_subcores=N_SUBCORES)
    return pl.kernel(
        functools.partial(_gather_body, b_full, b_last),
        out_type=jax.ShapeDtypeStruct((n,), jnp.float32),
        mesh=mesh,
        scratch_types=[
            pltpu.VMEM((b_full,), jnp.int32),
            pltpu.VMEM((b_full,), jnp.float32),
            pltpu.SemaphoreType.DMA,
            pltpu.SemaphoreType.DMA,
        ],
        name=name,
        compiler_params=pltpu.CompilerParams(needs_layout_passes=False),
    )


def kernel(x, t, idx):
    n = idx.shape[0]
    b_full = -(-n // N_WORKERS) if n % (8 * N_WORKERS) == 0 else (
        -(-n // (8 * N_WORKERS)) * 8)
    b_last = n - b_full * (N_WORKERS - 1)
    assert 0 < b_last <= b_full
    idx32 = idx.astype(jnp.int32)

    t_flat = _flatten_padded(t)
    x_flat = _flatten_padded(x)

    out_t = _make_gather(n, b_full, b_last, "holdout_gather_t")(t_flat, idx32)
    out_x = _make_gather(n, b_full, b_last, "holdout_gather_x")(x_flat, idx32)

    return (out_x.reshape(n, 1), out_t.reshape(n, 1))

# --- scband reference (transcript-rebuilt; emitter-appended) ---
"""Pipeline reference for scband-holdout-sampler-62208306315784 (READ-ONLY COPY).

The authoritative reference and input builder live on the scoring server;
editing this copy changes nothing except your own understanding.
"""

import jax, jax.numpy as jnp
import numpy as np

N = 1000000
n = 100000

def setup_inputs(seed: int = 0) -> dict:
    key = jax.random.key(seed)
    k1, k2, k3 = jax.random.split(key, 3)
    # x ~ Uniform(x_lim), t ~ Uniform(t_lim); harness uses rand in [0,1),
    # we mirror that and affine-map to the limits to stay faithful to uniform_(*lim)
    x = jax.random.uniform(k1, (N, 1), dtype=jnp.float32, minval=-1.0, maxval=1.0)
    t = jax.random.uniform(k2, (N, 1), dtype=jnp.float32, minval=0.0, maxval=1.0)
    idx = jax.random.randint(k3, (n,), 0, N, dtype=jnp.int64)
    return {"x": x, "t": t, "idx": idx}

def reference(x, t, idx):
    # HoldoutSampler.update(): gather a random minibatch of collocation points
    # x[idx], t[idx] -> pure memory-bound row gather
    x_s = jnp.take(x, idx, axis=0)
    t_s = jnp.take(t, idx, axis=0)
    return (x_s, t_s)

if __name__ == "__main__":
    import jax
    _d = setup_inputs()
    print(jax.jit(kernel)(*tuple(_d.values())))

</pallas_src>

<mosaic_0001>
#map = affine_map<(d0, d1) -> (0)>
module attributes {stable_mosaic.version = 14 : i64} {
  func.func @holdout_gather_x(%arg0: i32, %arg1: i32, %arg2: memref<1000448xf32, #tpu.memory_space<hbm>>, %arg3: memref<100000xi32, #tpu.memory_space<hbm>>, %arg4: memref<100000xf32, #tpu.memory_space<hbm>>, %arg5: memref<3128xi32, #tpu.memory_space<vmem>>, %arg6: memref<3128xf32, #tpu.memory_space<vmem>>, %arg7: memref<!tpu.dma_semaphore, #tpu.memory_space<semaphore_mem>>, %arg8: memref<!tpu.dma_semaphore, #tpu.memory_space<semaphore_mem>>) attributes {dimension_semantics = [#tpu.dimension_semantics<core_parallel>, #tpu.dimension_semantics<subcore_parallel>], iteration_bounds = array<i64: 2, 16>, scalar_prefetch = 0 : i64, scratch_operands = 4 : i64, tpu.core_type = #tpu.core_type<sc_vector_subcore>, window_params = [{transform_indices = #map}, {transform_indices = #map}, {transform_indices = #map}]} {
    %mul3A = arith.constant 2 : i32
    %mul3A_0 = arith.muli %arg1, %mul3A : i32
    %add3A = arith.addi %mul3A_0, %arg0 : i32
    %lt3A = arith.constant 31 : i32
    %lt3A_1 = arith.cmpi slt, %add3A, %lt3A : i32
    %convert_element_type3A = arith.extui %lt3A_1 : i1 to i32
    %cond3A = arith.constant 0 : i32
    %cond3A_2 = arith.cmpi ne, %convert_element_type3A, %cond3A : i32
    scf.if %cond3A_2 {
      %mul3A_7 = arith.constant 3128 : i32
      %mul3A_8 = arith.muli %add3A, %mul3A_7 : i32
      "tpu.region"() ({
        %run_scoped3A = tpu.sem_alloc : memref<!tpu.dma_semaphore, #tpu.memory_space<semaphore_mem>>
        %dma_start3A_35 = arith.constant 0 : i32
        %dma_start3A_36 = tpu.memref_slice %arg5[%dma_start3A_35] : memref<3128xi32, #tpu.memory_space<vmem>> -> memref<1560xi32, #tpu.memory_space<vmem>>
        %dma_start3A_37 = tpu.memref_slice %arg3[%mul3A_8] : memref<100000xi32, #tpu.memory_space<hbm>> -> memref<1560xi32, #tpu.memory_space<hbm>>
        %dma_start3A_38 = arith.constant 0 : i32
        %dma_start3A_39 = tpu.memref_slice %arg5[%dma_start3A_38] : memref<3128xi32, #tpu.memory_space<vmem>> -> memref<1560xi32, #tpu.memory_space<vmem>>
        %dma_start3A_40 = tpu.memref_slice %arg3[%mul3A_8] : memref<100000xi32, #tpu.memory_space<hbm>> -> memref<1560xi32, #tpu.memory_space<hbm>>
        tpu.enqueue_dma source(%dma_start3A_40 : memref<1560xi32, #tpu.memory_space<hbm>>) target(%dma_start3A_39 : memref<1560xi32, #tpu.memory_space<vmem>>) target_semaphore(%run_scoped3A : memref<!tpu.dma_semaphore, #tpu.memory_space<semaphore_mem>>)
        %dma_wait3A_41 = arith.constant 0 : i32
        %dma_wait3A_42 = tpu.memref_slice %arg5[%dma_wait3A_41] : memref<3128xi32, #tpu.memory_space<vmem>> -> memref<1560xi32, #tpu.memory_space<vmem>>
        %dma_wait3A_43 = tpu.memref_slice %arg3[%mul3A_8] : memref<100000xi32, #tpu.memory_space<hbm>> -> memref<1560xi32, #tpu.memory_space<hbm>>
        %dma_wait3A_44 = arith.constant 0 : i32
        %dma_wait3A_45 = tpu.memref_slice %arg5[%dma_wait3A_44] : memref<3128xi32, #tpu.memory_space<vmem>> -> memref<1560xi32, #tpu.memory_space<vmem>>
        %dma_wait3A_46 = tpu.memref_slice %arg3[%mul3A_8] : memref<100000xi32, #tpu.memory_space<hbm>> -> memref<1560xi32, #tpu.memory_space<hbm>>
        tpu.wait_dma2 semaphore(%run_scoped3A : memref<!tpu.dma_semaphore, #tpu.memory_space<semaphore_mem>>) src(%dma_wait3A_46 : memref<1560xi32, #tpu.memory_space<hbm>>) dst(%dma_wait3A_45 : memref<1560xi32, #tpu.memory_space<vmem>>)
        tpu.yield
      }) : () -> ()
      %dma_start3A = arith.constant 0 : i32
      %dma_start3A_9 = tpu.memref_slice %arg6[%dma_start3A] : memref<3128xf32, #tpu.memory_space<vmem>> -> memref<1560xf32, #tpu.memory_space<vmem>>
      %dma_start3A_10 = arith.constant 0 : i32
      %dma_start3A_11 = tpu.memref_slice %arg5[%dma_start3A_10] : memref<3128xi32, #tpu.memory_space<vmem>> -> memref<1560xi32, #tpu.memory_space<vmem>>
      %dma_start3A_12 = arith.constant 0 : i32
      %dma_start3A_13 = tpu.memref_slice %arg2[%dma_start3A_12] : memref<1000448xf32, #tpu.memory_space<hbm>> -> memref<1000448xf32, #tpu.memory_space<hbm>>
      tpu.enqueue_indirect_dma source(%dma_start3A_13 : memref<1000448xf32, #tpu.memory_space<hbm>>) target(%dma_start3A_9 : memref<1560xf32, #tpu.memory_space<vmem>>) offsets(%dma_start3A_11 : memref<1560xi32, #tpu.memory_space<vmem>>) semaphore(%arg7 : memref<!tpu.dma_semaphore, #tpu.memory_space<semaphore_mem>>)
      %add3A_14 = arith.constant 1560 : i32
      %add3A_15 = arith.addi %mul3A_8, %add3A_14 : i32
      "tpu.region"() ({
        %run_scoped3A = tpu.sem_alloc : memref<!tpu.dma_semaphore, #tpu.memory_space<semaphore_mem>>
        %dma_start3A_35 = arith.constant 1560 : i32
        %dma_start3A_36 = tpu.memref_slice %arg5[%dma_start3A_35] : memref<3128xi32, #tpu.memory_space<vmem>> -> memref<1568xi32, #tpu.memory_space<vmem>>
        %dma_start3A_37 = tpu.memref_slice %arg3[%add3A_15] : memref<100000xi32, #tpu.memory_space<hbm>> -> memref<1568xi32, #tpu.memory_space<hbm>>
        %dma_start3A_38 = arith.constant 1560 : i32
        %dma_start3A_39 = tpu.memref_slice %arg5[%dma_start3A_38] : memref<3128xi32, #tpu.memory_space<vmem>> -> memref<1568xi32, #tpu.memory_space<vmem>>
        %dma_start3A_40 = tpu.memref_slice %arg3[%add3A_15] : memref<100000xi32, #tpu.memory_space<hbm>> -> memref<1568xi32, #tpu.memory_space<hbm>>
        tpu.enqueue_dma source(%dma_start3A_40 : memref<1568xi32, #tpu.memory_space<hbm>>) target(%dma_start3A_39 : memref<1568xi32, #tpu.memory_space<vmem>>) target_semaphore(%run_scoped3A : memref<!tpu.dma_semaphore, #tpu.memory_space<semaphore_mem>>)
        %dma_wait3A_41 = arith.constant 1560 : i32
        %dma_wait3A_42 = tpu.memref_slice %arg5[%dma_wait3A_41] : memref<3128xi32, #tpu.memory_space<vmem>> -> memref<1568xi32, #tpu.memory_space<vmem>>
        %dma_wait3A_43 = tpu.memref_slice %arg3[%add3A_15] : memref<100000xi32, #tpu.memory_space<hbm>> -> memref<1568xi32, #tpu.memory_space<hbm>>
        %dma_wait3A_44 = arith.constant 1560 : i32
        %dma_wait3A_45 = tpu.memref_slice %arg5[%dma_wait3A_44] : memref<3128xi32, #tpu.memory_space<vmem>> -> memref<1568xi32, #tpu.memory_space<vmem>>
        %dma_wait3A_46 = tpu.memref_slice %arg3[%add3A_15] : memref<100000xi32, #tpu.memory_space<hbm>> -> memref<1568xi32, #tpu.memory_space<hbm>>
        tpu.wait_dma2 semaphore(%run_scoped3A : memref<!tpu.dma_semaphore, #tpu.memory_space<semaphore_mem>>) src(%dma_wait3A_46 : memref<1568xi32, #tpu.memory_space<hbm>>) dst(%dma_wait3A_45 : memref<1568xi32, #tpu.memory_space<vmem>>)
        tpu.yield
      }) : () -> ()
      %dma_start3A_16 = arith.constant 1560 : i32
      %dma_start3A_17 = tpu.memref_slice %arg6[%dma_start3A_16] : memref<3128xf32, #tpu.memory_space<vmem>> -> memref<1568xf32, #tpu.memory_space<vmem>>
      %dma_start3A_18 = arith.constant 1560 : i32
      %dma_start3A_19 = tpu.memref_slice %arg5[%dma_start3A_18] : memref<3128xi32, #tpu.memory_space<vmem>> -> memref<1568xi32, #tpu.memory_space<vmem>>
      %dma_start3A_20 = arith.constant 0 : i32
      %dma_start3A_21 = tpu.memref_slice %arg2[%dma_start3A_20] : memref<1000448xf32, #tpu.memory_space<hbm>> -> memref<1000448xf32, #tpu.memory_space<hbm>>
      tpu.enqueue_indirect_dma source(%dma_start3A_21 : memref<1000448xf32, #tpu.memory_space<hbm>>) target(%dma_start3A_17 : memref<1568xf32, #tpu.memory_space<vmem>>) offsets(%dma_start3A_19 : memref<1568xi32, #tpu.memory_space<vmem>>) semaphore(%arg8 : memref<!tpu.dma_semaphore, #tpu.memory_space<semaphore_mem>>)
      %dma_wait3A = arith.constant 0 : i32
      %dma_wait3A_22 = tpu.memref_slice %arg6[%dma_wait3A] : memref<3128xf32, #tpu.memory_space<vmem>> -> memref<1560xf32, #tpu.memory_space<vmem>>
      %dma_wait3A_23 = arith.constant 0 : i32
      %dma_wait3A_24 = tpu.memref_slice %arg5[%dma_wait3A_23] : memref<3128xi32, #tpu.memory_space<vmem>> -> memref<1560xi32, #tpu.memory_space<vmem>>
      %dma_wait3A_25 = arith.constant 0 : i32
      %dma_wait3A_26 = tpu.memref_slice %arg2[%dma_wait3A_25] : memref<1000448xf32, #tpu.memory_space<hbm>> -> memref<1000448xf32, #tpu.memory_space<hbm>>
      tpu.wait_indirect_dma semaphore(%arg7 : memref<!tpu.dma_semaphore, #tpu.memory_space<semaphore_mem>>) src(%dma_wait3A_26 : memref<1000448xf32, #tpu.memory_space<hbm>>) dst(%dma_wait3A_22 : memref<1560xf32, #tpu.memory_space<vmem>>)
      "tpu.region"() ({
        %run_scoped3A = tpu.sem_alloc : memref<!tpu.dma_semaphore, #tpu.memory_space<semaphore_mem>>
        %dma_start3A_35 = arith.constant 0 : i32
        %dma_start3A_36 = tpu.memref_slice %arg6[%dma_start3A_35] : memref<3128xf32, #tpu.memory_space<vmem>> -> memref<1560xf32, #tpu.memory_space<vmem>>
        %dma_start3A_37 = tpu.memref_slice %arg4[%mul3A_8] : memref<100000xf32, #tpu.memory_space<hbm>> -> memref<1560xf32, #tpu.memory_space<hbm>>
        %dma_start3A_38 = tpu.memref_slice %arg4[%mul3A_8] : memref<100000xf32, #tpu.memory_space<hbm>> -> memref<1560xf32, #tpu.memory_space<hbm>>
        %dma_start3A_39 = arith.constant 0 : i32
        %dma_start3A_40 = tpu.memref_slice %arg6[%dma_start3A_39] : memref<3128xf32, #tpu.memory_space<vmem>> -> memref<1560xf32, #tpu.memory_space<vmem>>
        tpu.enqueue_dma source(%dma_start3A_40 : memref<1560xf32, #tpu.memory_space<vmem>>) target(%dma_start3A_38 : memref<1560xf32, #tpu.memory_space<hbm>>) target_semaphore(%run_scoped3A : memref<!tpu.dma_semaphore, #tpu.memory_space<semaphore_mem>>)
        %dma_wait3A_41 = arith.constant 0 : i32
        %dma_wait3A_42 = tpu.memref_slice %arg6[%dma_wait3A_41] : memref<3128xf32, #tpu.memory_space<vmem>> -> memref<1560xf32, #tpu.memory_space<vmem>>
        %dma_wait3A_43 = tpu.memref_slice %arg4[%mul3A_8] : memref<100000xf32, #tpu.memory_space<hbm>> -> memref<1560xf32, #tpu.memory_space<hbm>>
        %dma_wait3A_44 = tpu.memref_slice %arg4[%mul3A_8] : memref<100000xf32, #tpu.memory_space<hbm>> -> memref<1560xf32, #tpu.memory_space<hbm>>
        %dma_wait3A_45 = arith.constant 0 : i32
        %dma_wait3A_46 = tpu.memref_slice %arg6[%dma_wait3A_45] : memref<3128xf32, #tpu.memory_space<vmem>> -> memref<1560xf32, #tpu.memory_space<vmem>>
        tpu.wait_dma2 semaphore(%run_scoped3A : memref<!tpu.dma_semaphore, #tpu.memory_space<semaphore_mem>>) src(%dma_wait3A_46 : memref<1560xf32, #tpu.memory_space<vmem>>) dst(%dma_wait3A_44 : memref<1560xf32, #tpu.memory_space<hbm>>)
        tpu.yield
      }) : () -> ()
      %dma_wait3A_27 = arith.constant 1560 : i32
      %dma_wait3A_28 = tpu.memref_slice %arg6[%dma_wait3A_27] : memref<3128xf32, #tpu.memory_space<vmem>> -> memref<1568xf32, #tpu.memory_space<vmem>>
      %dma_wait3A_29 = arith.constant 1560 : i32
      %dma_wait3A_30 = tpu.memref_slice %arg5[%dma_wait3A_29] : memref<3128xi32, #tpu.memory_space<vmem>> -> memref<1568xi32, #tpu.memory_space<vmem>>
      %dma_wait3A_31 = arith.constant 0 : i32
      %dma_wait3A_32 = tpu.memref_slice %arg2[%dma_wait3A_31] : memref<1000448xf32, #tpu.memory_space<hbm>> -> memref<1000448xf32, #tpu.memory_space<hbm>>
      tpu.wait_indirect_dma semaphore(%arg8 : memref<!tpu.dma_semaphore, #tpu.memory_space<semaphore_mem>>) src(%dma_wait3A_32 : memref<1000448xf32, #tpu.memory_space<hbm>>) dst(%dma_wait3A_28 : memref<1568xf32, #tpu.memory_space<vmem>>)
      %add3A_33 = arith.constant 1560 : i32
      %add3A_34 = arith.addi %mul3A_8, %add3A_33 : i32
      "tpu.region"() ({
        %run_scoped3A = tpu.sem_alloc : memref<!tpu.dma_semaphore, #tpu.memory_space<semaphore_mem>>
        %dma_start3A_35 = arith.constant 1560 : i32
        %dma_start3A_36 = tpu.memref_slice %arg6[%dma_start3A_35] : memref<3128xf32, #tpu.memory_space<vmem>> -> memref<1568xf32, #tpu.memory_space<vmem>>
        %dma_start3A_37 = tpu.memref_slice %arg4[%add3A_34] : memref<100000xf32, #tpu.memory_space<hbm>> -> memref<1568xf32, #tpu.memory_space<hbm>>
        %dma_start3A_38 = tpu.memref_slice %arg4[%add3A_34] : memref<100000xf32, #tpu.memory_space<hbm>> -> memref<1568xf32, #tpu.memory_space<hbm>>
        %dma_start3A_39 = arith.constant 1560 : i32
        %dma_start3A_40 = tpu.memref_slice %arg6[%dma_start3A_39] : memref<3128xf32, #tpu.memory_space<vmem>> -> memref<1568xf32, #tpu.memory_space<vmem>>
        tpu.enqueue_dma source(%dma_start3A_40 : memref<1568xf32, #tpu.memory_space<vmem>>) target(%dma_start3A_38 : memref<1568xf32, #tpu.memory_space<hbm>>) target_semaphore(%run_scoped3A : memref<!tpu.dma_semaphore, #tpu.memory_space<semaphore_mem>>)
        %dma_wait3A_41 = arith.constant 1560 : i32
        %dma_wait3A_42 = tpu.memref_slice %arg6[%dma_wait3A_41] : memref<3128xf32, #tpu.memory_space<vmem>> -> memref<1568xf32, #tpu.memory_space<vmem>>
        %dma_wait3A_43 = tpu.memref_slice %arg4[%add3A_34] : memref<100000xf32, #tpu.memory_space<hbm>> -> memref<1568xf32, #tpu.memory_space<hbm>>
        %dma_wait3A_44 = tpu.memref_slice %arg4[%add3A_34] : memref<100000xf32, #tpu.memory_space<hbm>> -> memref<1568xf32, #tpu.memory_space<hbm>>
        %dma_wait3A_45 = arith.constant 1560 : i32
        %dma_wait3A_46 = tpu.memref_slice %arg6[%dma_wait3A_45] : memref<3128xf32, #tpu.memory_space<vmem>> -> memref<1568xf32, #tpu.memory_space<vmem>>
        tpu.wait_dma2 semaphore(%run_scoped3A : memref<!tpu.dma_semaphore, #tpu.memory_space<semaphore_mem>>) src(%dma_wait3A_46 : memref<1568xf32, #tpu.memory_space<vmem>>) dst(%dma_wait3A_44 : memref<1568xf32, #tpu.memory_space<hbm>>)
        tpu.yield
      }) : () -> ()
    } else {
    }
    %eq3A = arith.constant 31 : i32
    %eq3A_3 = arith.cmpi eq, %add3A, %eq3A : i32
    %convert_element_type3A_4 = arith.extui %eq3A_3 : i1 to i32
    %cond3A_5 = arith.constant 0 : i32
    %cond3A_6 = arith.cmpi ne, %convert_element_type3A_4, %cond3A_5 : i32
    scf.if %cond3A_6 {
      "tpu.region"() ({
        %run_scoped3A = tpu.sem_alloc : memref<!tpu.dma_semaphore, #tpu.memory_space<semaphore_mem>>
        %dma_start3A_29 = arith.constant 0 : i32
        %dma_start3A_30 = tpu.memref_slice %arg5[%dma_start3A_29] : memref<3128xi32, #tpu.memory_space<vmem>> -> memref<1512xi32, #tpu.memory_space<vmem>>
        %dma_start3A_31 = arith.constant 96968 : i32
        %dma_start3A_32 = tpu.memref_slice %arg3[%dma_start3A_31] : memref<100000xi32, #tpu.memory_space<hbm>> -> memref<1512xi32, #tpu.memory_space<hbm>>
        %dma_start3A_33 = arith.constant 0 : i32
        %dma_start3A_34 = tpu.memref_slice %arg5[%dma_start3A_33] : memref<3128xi32, #tpu.memory_space<vmem>> -> memref<1512xi32, #tpu.memory_space<vmem>>
        %dma_start3A_35 = arith.constant 96968 : i32
        %dma_start3A_36 = tpu.memref_slice %arg3[%dma_start3A_35] : memref<100000xi32, #tpu.memory_space<hbm>> -> memref<1512xi32, #tpu.memory_space<hbm>>
        tpu.enqueue_dma source(%dma_start3A_36 : memref<1512xi32, #tpu.memory_space<hbm>>) target(%dma_start3A_34 : memref<1512xi32, #tpu.memory_space<vmem>>) target_semaphore(%run_scoped3A : memref<!tpu.dma_semaphore, #tpu.memory_space<semaphore_mem>>)
        %dma_wait3A_37 = arith.constant 0 : i32
        %dma_wait3A_38 = tpu.memref_slice %arg5[%dma_wait3A_37] : memref<3128xi32, #tpu.memory_space<vmem>> -> memref<1512xi32, #tpu.memory_space<vmem>>
        %dma_wait3A_39 = arith.constant 96968 : i32
        %dma_wait3A_40 = tpu.memref_slice %arg3[%dma_wait3A_39] : memref<100000xi32, #tpu.memory_space<hbm>> -> memref<1512xi32, #tpu.memory_space<hbm>>
        %dma_wait3A_41 = arith.constant 0 : i32
        %dma_wait3A_42 = tpu.memref_slice %arg5[%dma_wait3A_41] : memref<3128xi32, #tpu.memory_space<vmem>> -> memref<1512xi32, #tpu.memory_space<vmem>>
        %dma_wait3A_43 = arith.constant 96968 : i32
        %dma_wait3A_44 = tpu.memref_slice %arg3[%dma_wait3A_43] : memref<100000xi32, #tpu.memory_space<hbm>> -> memref<1512xi32, #tpu.memory_space<hbm>>
        tpu.wait_dma2 semaphore(%run_scoped3A : memref<!tpu.dma_semaphore, #tpu.memory_space<semaphore_mem>>) src(%dma_wait3A_44 : memref<1512xi32, #tpu.memory_space<hbm>>) dst(%dma_wait3A_42 : memref<1512xi32, #tpu.memory_space<vmem>>)
        tpu.yield
      }) : () -> ()
      %dma_start3A = arith.constant 0 : i32
      %dma_start3A_7 = tpu.memref_slice %arg6[%dma_start3A] : memref<3128xf32, #tpu.memory_space<vmem>> -> memref<1512xf32, #tpu.memory_space<vmem>>
      %dma_start3A_8 = arith.constant 0 : i32
      %dma_start3A_9 = tpu.memref_slice %arg5[%dma_start3A_8] : memref<3128xi32, #tpu.memory_space<vmem>> -> memref<1512xi32, #tpu.memory_space<vmem>>
      %dma_start3A_10 = arith.constant 0 : i32
      %dma_start3A_11 = tpu.memref_slice %arg2[%dma_start3A_10] : memref<1000448xf32, #tpu.memory_space<hbm>> -> memref<1000448xf32, #tpu.memory_space<hbm>>
      tpu.enqueue_indirect_dma source(%dma_start3A_11 : memref<1000448xf32, #tpu.memory_space<hbm>>) target(%dma_start3A_7 : memref<1512xf32, #tpu.memory_space<vmem>>) offsets(%dma_start3A_9 : memref<1512xi32, #tpu.memory_space<vmem>>) semaphore(%arg7 : memref<!tpu.dma_semaphore, #tpu.memory_space<semaphore_mem>>)
      "tpu.region"() ({
        %run_scoped3A = tpu.sem_alloc : memref<!tpu.dma_semaphore, #tpu.memory_space<semaphore_mem>>
        %dma_start3A_29 = arith.constant 1512 : i32
        %dma_start3A_30 = tpu.memref_slice %arg5[%dma_start3A_29] : memref<3128xi32, #tpu.memory_space<vmem>> -> memref<1520xi32, #tpu.memory_space<vmem>>
        %dma_start3A_31 = arith.constant 98480 : i32
        %dma_start3A_32 = tpu.memref_slice %arg3[%dma_start3A_31] : memref<100000xi32, #tpu.memory_space<hbm>> -> memref<1520xi32, #tpu.memory_space<hbm>>
        %dma_start3A_33 = arith.constant 1512 : i32
        %dma_start3A_34 = tpu.memref_slice %arg5[%dma_start3A_33] : memref<3128xi32, #tpu.memory_space<vmem>> -> memref<1520xi32, #tpu.memory_space<vmem>>
        %dma_start3A_35 = arith.constant 98480 : i32
        %dma_start3A_36 = tpu.memref_slice %arg3[%dma_start3A_35] : memref<100000xi32, #tpu.memory_space<hbm>> -> memref<1520xi32, #tpu.memory_space<hbm>>
        tpu.enqueue_dma source(%dma_start3A_36 : memref<1520xi32, #tpu.memory_space<hbm>>) target(%dma_start3A_34 : memref<1520xi32, #tpu.memory_space<vmem>>) target_semaphore(%run_scoped3A : memref<!tpu.dma_semaphore, #tpu.memory_space<semaphore_mem>>)
        %dma_wait3A_37 = arith.constant 1512 : i32
        %dma_wait3A_38 = tpu.memref_slice %arg5[%dma_wait3A_37] : memref<3128xi32, #tpu.memory_space<vmem>> -> memref<1520xi32, #tpu.memory_space<vmem>>
        %dma_wait3A_39 = arith.constant 98480 : i32
        %dma_wait3A_40 = tpu.memref_slice %arg3[%dma_wait3A_39] : memref<100000xi32, #tpu.memory_space<hbm>> -> memref<1520xi32, #tpu.memory_space<hbm>>
        %dma_wait3A_41 = arith.constant 1512 : i32
        %dma_wait3A_42 = tpu.memref_slice %arg5[%dma_wait3A_41] : memref<3128xi32, #tpu.memory_space<vmem>> -> memref<1520xi32, #tpu.memory_space<vmem>>
        %dma_wait3A_43 = arith.constant 98480 : i32
        %dma_wait3A_44 = tpu.memref_slice %arg3[%dma_wait3A_43] : memref<100000xi32, #tpu.memory_space<hbm>> -> memref<1520xi32, #tpu.memory_space<hbm>>
        tpu.wait_dma2 semaphore(%run_scoped3A : memref<!tpu.dma_semaphore, #tpu.memory_space<semaphore_mem>>) src(%dma_wait3A_44 : memref<1520xi32, #tpu.memory_space<hbm>>) dst(%dma_wait3A_42 : memref<1520xi32, #tpu.memory_space<vmem>>)
        tpu.yield
      }) : () -> ()
      %dma_start3A_12 = arith.constant 1512 : i32
      %dma_start3A_13 = tpu.memref_slice %arg6[%dma_start3A_12] : memref<3128xf32, #tpu.memory_space<vmem>> -> memref<1520xf32, #tpu.memory_space<vmem>>
      %dma_start3A_14 = arith.constant 1512 : i32
      %dma_start3A_15 = tpu.memref_slice %arg5[%dma_start3A_14] : memref<3128xi32, #tpu.memory_space<vmem>> -> memref<1520xi32, #tpu.memory_space<vmem>>
      %dma_start3A_16 = arith.constant 0 : i32
      %dma_start3A_17 = tpu.memref_slice %arg2[%dma_start3A_16] : memref<1000448xf32, #tpu.memory_space<hbm>> -> memref<1000448xf32, #tpu.memory_space<hbm>>
      tpu.enqueue_indirect_dma source(%dma_start3A_17 : memref<1000448xf32, #tpu.memory_space<hbm>>) target(%dma_start3A_13 : memref<1520xf32, #tpu.memory_space<vmem>>) offsets(%dma_start3A_15 : memref<1520xi32, #tpu.memory_space<vmem>>) semaphore(%arg8 : memref<!tpu.dma_semaphore, #tpu.memory_space<semaphore_mem>>)
      %dma_wait3A = arith.constant 0 : i32
      %dma_wait3A_18 = tpu.memref_slice %arg6[%dma_wait3A] : memref<3128xf32, #tpu.memory_space<vmem>> -> memref<1512xf32, #tpu.memory_space<vmem>>
      %dma_wait3A_19 = arith.constant 0 : i32
      %dma_wait3A_20 = tpu.memref_slice %arg5[%dma_wait3A_19] : memref<3128xi32, #tpu.memory_space<vmem>> -> memref<1512xi32, #tpu.memory_space<vmem>>
      %dma_wait3A_21 = arith.constant 0 : i32
      %dma_wait3A_22 = tpu.memref_slice %arg2[%dma_wait3A_21] : memref<1000448xf32, #tpu.memory_space<hbm>> -> memref<1000448xf32, #tpu.memory_space<hbm>>
      tpu.wait_indirect_dma semaphore(%arg7 : memref<!tpu.dma_semaphore, #tpu.memory_space<semaphore_mem>>) src(%dma_wait3A_22 : memref<1000448xf32, #tpu.memory_space<hbm>>) dst(%dma_wait3A_18 : memref<1512xf32, #tpu.memory_space<vmem>>)
      "tpu.region"() ({
        %run_scoped3A = tpu.sem_alloc : memref<!tpu.dma_semaphore, #tpu.memory_space<semaphore_mem>>
        %dma_start3A_29 = arith.constant 0 : i32
        %dma_start3A_30 = tpu.memref_slice %arg6[%dma_start3A_29] : memref<3128xf32, #tpu.memory_space<vmem>> -> memref<1512xf32, #tpu.memory_space<vmem>>
        %dma_start3A_31 = arith.constant 96968 : i32
        %dma_start3A_32 = tpu.memref_slice %arg4[%dma_start3A_31] : memref<100000xf32, #tpu.memory_space<hbm>> -> memref<1512xf32, #tpu.memory_space<hbm>>
        %dma_start3A_33 = arith.constant 96968 : i32
        %dma_start3A_34 = tpu.memref_slice %arg4[%dma_start3A_33] : memref<100000xf32, #tpu.memory_space<hbm>> -> memref<1512xf32, #tpu.memory_space<hbm>>
        %dma_start3A_35 = arith.constant 0 : i32
        %dma_start3A_36 = tpu.memref_slice %arg6[%dma_start3A_35] : memref<3128xf32, #tpu.memory_space<vmem>> -> memref<1512xf32, #tpu.memory_space<vmem>>
        tpu.enqueue_dma source(%dma_start3A_36 : memref<1512xf32, #tpu.memory_space<vmem>>) target(%dma_start3A_34 : memref<1512xf32, #tpu.memory_space<hbm>>) target_semaphore(%run_scoped3A : memref<!tpu.dma_semaphore, #tpu.memory_space<semaphore_mem>>)
        %dma_wait3A_37 = arith.constant 0 : i32
        %dma_wait3A_38 = tpu.memref_slice %arg6[%dma_wait3A_37] : memref<3128xf32, #tpu.memory_space<vmem>> -> memref<1512xf32, #tpu.memory_space<vmem>>
        %dma_wait3A_39 = arith.constant 96968 : i32
        %dma_wait3A_40 = tpu.memref_slice %arg4[%dma_wait3A_39] : memref<100000xf32, #tpu.memory_space<hbm>> -> memref<1512xf32, #tpu.memory_space<hbm>>
        %dma_wait3A_41 = arith.constant 96968 : i32
        %dma_wait3A_42 = tpu.memref_slice %arg4[%dma_wait3A_41] : memref<100000xf32, #tpu.memory_space<hbm>> -> memref<1512xf32, #tpu.memory_space<hbm>>
        %dma_wait3A_43 = arith.constant 0 : i32
        %dma_wait3A_44 = tpu.memref_slice %arg6[%dma_wait3A_43] : memref<3128xf32, #tpu.memory_space<vmem>> -> memref<1512xf32, #tpu.memory_space<vmem>>
        tpu.wait_dma2 semaphore(%run_scoped3A : memref<!tpu.dma_semaphore, #tpu.memory_space<semaphore_mem>>) src(%dma_wait3A_44 : memref<1512xf32, #tpu.memory_space<vmem>>) dst(%dma_wait3A_42 : memref<1512xf32, #tpu.memory_space<hbm>>)
        tpu.yield
      }) : () -> ()
      %dma_wait3A_23 = arith.constant 1512 : i32
      %dma_wait3A_24 = tpu.memref_slice %arg6[%dma_wait3A_23] : memref<3128xf32, #tpu.memory_space<vmem>> -> memref<1520xf32, #tpu.memory_space<vmem>>
      %dma_wait3A_25 = arith.constant 1512 : i32
      %dma_wait3A_26 = tpu.memref_slice %arg5[%dma_wait3A_25] : memref<3128xi32, #tpu.memory_space<vmem>> -> memref<1520xi32, #tpu.memory_space<vmem>>
      %dma_wait3A_27 = arith.constant 0 : i32
      %dma_wait3A_28 = tpu.memref_slice %arg2[%dma_wait3A_27] : memref<1000448xf32, #tpu.memory_space<hbm>> -> memref<1000448xf32, #tpu.memory_space<hbm>>
      tpu.wait_indirect_dma semaphore(%arg8 : memref<!tpu.dma_semaphore, #tpu.memory_space<semaphore_mem>>) src(%dma_wait3A_28 : memref<1000448xf32, #tpu.memory_space<hbm>>) dst(%dma_wait3A_24 : memref<1520xf32, #tpu.memory_space<vmem>>)
      "tpu.region"() ({
        %run_scoped3A = tpu.sem_alloc : memref<!tpu.dma_semaphore, #tpu.memory_space<semaphore_mem>>
        %dma_start3A_29 = arith.constant 1512 : i32
        %dma_start3A_30 = tpu.memref_slice %arg6[%dma_start3A_29] : memref<3128xf32, #tpu.memory_space<vmem>> -> memref<1520xf32, #tpu.memory_space<vmem>>
        %dma_start3A_31 = arith.constant 98480 : i32
        %dma_start3A_32 = tpu.memref_slice %arg4[%dma_start3A_31] : memref<100000xf32, #tpu.memory_space<hbm>> -> memref<1520xf32, #tpu.memory_space<hbm>>
        %dma_start3A_33 = arith.constant 98480 : i32
        %dma_start3A_34 = tpu.memref_slice %arg4[%dma_start3A_33] : memref<100000xf32, #tpu.memory_space<hbm>> -> memref<1520xf32, #tpu.memory_space<hbm>>
        %dma_start3A_35 = arith.constant 1512 : i32
        %dma_start3A_36 = tpu.memref_slice %arg6[%dma_start3A_35] : memref<3128xf32, #tpu.memory_space<vmem>> -> memref<1520xf32, #tpu.memory_space<vmem>>
        tpu.enqueue_dma source(%dma_start3A_36 : memref<1520xf32, #tpu.memory_space<vmem>>) target(%dma_start3A_34 : memref<1520xf32, #tpu.memory_space<hbm>>) target_semaphore(%run_scoped3A : memref<!tpu.dma_semaphore, #tpu.memory_space<semaphore_mem>>)
        %dma_wait3A_37 = arith.constant 1512 : i32
        %dma_wait3A_38 = tpu.memref_slice %arg6[%dma_wait3A_37] : memref<3128xf32, #tpu.memory_space<vmem>> -> memref<1520xf32, #tpu.memory_space<vmem>>
        %dma_wait3A_39 = arith.constant 98480 : i32
        %dma_wait3A_40 = tpu.memref_slice %arg4[%dma_wait3A_39] : memref<100000xf32, #tpu.memory_space<hbm>> -> memref<1520xf32, #tpu.memory_space<hbm>>
        %dma_wait3A_41 = arith.constant 98480 : i32
        %dma_wait3A_42 = tpu.memref_slice %arg4[%dma_wait3A_41] : memref<100000xf32, #tpu.memory_space<hbm>> -> memref<1520xf32, #tpu.memory_space<hbm>>
        %dma_wait3A_43 = arith.constant 1512 : i32
        %dma_wait3A_44 = tpu.memref_slice %arg6[%dma_wait3A_43] : memref<3128xf32, #tpu.memory_space<vmem>> -> memref<1520xf32, #tpu.memory_space<vmem>>
        tpu.wait_dma2 semaphore(%run_scoped3A : memref<!tpu.dma_semaphore, #tpu.memory_space<semaphore_mem>>) src(%dma_wait3A_44 : memref<1520xf32, #tpu.memory_space<vmem>>) dst(%dma_wait3A_42 : memref<1520xf32, #tpu.memory_space<hbm>>)
        tpu.yield
      }) : () -> ()
    } else {
    }
    return
  }
}

#map = affine_map<(d0, d1) -> (0)>
module attributes {stable_mosaic.version = 14 : i64} {
  func.func @holdout_gather_t(%arg0: i32, %arg1: i32, %arg2: memref<1000448xf32, #tpu.memory_space<hbm>>, %arg3: memref<100000xi32, #tpu.memory_space<hbm>>, %arg4: memref<100000xf32, #tpu.memory_space<hbm>>, %arg5: memref<3128xi32, #tpu.memory_space<vmem>>, %arg6: memref<3128xf32, #tpu.memory_space<vmem>>, %arg7: memref<!tpu.dma_semaphore, #tpu.memory_space<semaphore_mem>>, %arg8: memref<!tpu.dma_semaphore, #tpu.memory_space<semaphore_mem>>) attributes {dimension_semantics = [#tpu.dimension_semantics<core_parallel>, #tpu.dimension_semantics<subcore_parallel>], iteration_bounds = array<i64: 2, 16>, scalar_prefetch = 0 : i64, scratch_operands = 4 : i64, tpu.core_type = #tpu.core_type<sc_vector_subcore>, window_params = [{transform_indices = #map}, {transform_indices = #map}, {transform_indices = #map}]} {
    %mul3A = arith.constant 2 : i32
    %mul3A_0 = arith.muli %arg1, %mul3A : i32
    %add3A = arith.addi %mul3A_0, %arg0 : i32
    %lt3A = arith.constant 31 : i32
    %lt3A_1 = arith.cmpi slt, %add3A, %lt3A : i32
    %convert_element_type3A = arith.extui %lt3A_1 : i1 to i32
    %cond3A = arith.constant 0 : i32
    %cond3A_2 = arith.cmpi ne, %convert_element_type3A, %cond3A : i32
    scf.if %cond3A_2 {
      %mul3A_7 = arith.constant 3128 : i32
      %mul3A_8 = arith.muli %add3A, %mul3A_7 : i32
      "tpu.region"() ({
        %run_scoped3A = tpu.sem_alloc : memref<!tpu.dma_semaphore, #tpu.memory_space<semaphore_mem>>
        %dma_start3A_35 = arith.constant 0 : i32
        %dma_start3A_36 = tpu.memref_slice %arg5[%dma_start3A_35] : memref<3128xi32, #tpu.memory_space<vmem>> -> memref<1560xi32, #tpu.memory_space<vmem>>
        %dma_start3A_37 = tpu.memref_slice %arg3[%mul3A_8] : memref<100000xi32, #tpu.memory_space<hbm>> -> memref<1560xi32, #tpu.memory_space<hbm>>
        %dma_start3A_38 = arith.constant 0 : i32
        %dma_start3A_39 = tpu.memref_slice %arg5[%dma_start3A_38] : memref<3128xi32, #tpu.memory_space<vmem>> -> memref<1560xi32, #tpu.memory_space<vmem>>
        %dma_start3A_40 = tpu.memref_slice %arg3[%mul3A_8] : memref<100000xi32, #tpu.memory_space<hbm>> -> memref<1560xi32, #tpu.memory_space<hbm>>
        tpu.enqueue_dma source(%dma_start3A_40 : memref<1560xi32, #tpu.memory_space<hbm>>) target(%dma_start3A_39 : memref<1560xi32, #tpu.memory_space<vmem>>) target_semaphore(%run_scoped3A : memref<!tpu.dma_semaphore, #tpu.memory_space<semaphore_mem>>)
        %dma_wait3A_41 = arith.constant 0 : i32
        %dma_wait3A_42 = tpu.memref_slice %arg5[%dma_wait3A_41] : memref<3128xi32, #tpu.memory_space<vmem>> -> memref<1560xi32, #tpu.memory_space<vmem>>
        %dma_wait3A_43 = tpu.memref_slice %arg3[%mul3A_8] : memref<100000xi32, #tpu.memory_space<hbm>> -> memref<1560xi32, #tpu.memory_space<hbm>>
        %dma_wait3A_44 = arith.constant 0 : i32
        %dma_wait3A_45 = tpu.memref_slice %arg5[%dma_wait3A_44] : memref<3128xi32, #tpu.memory_space<vmem>> -> memref<1560xi32, #tpu.memory_space<vmem>>
        %dma_wait3A_46 = tpu.memref_slice %arg3[%mul3A_8] : memref<100000xi32, #tpu.memory_space<hbm>> -> memref<1560xi32, #tpu.memory_space<hbm>>
        tpu.wait_dma2 semaphore(%run_scoped3A : memref<!tpu.dma_semaphore, #tpu.memory_space<semaphore_mem>>) src(%dma_wait3A_46 : memref<1560xi32, #tpu.memory_space<hbm>>) dst(%dma_wait3A_45 : memref<1560xi32, #tpu.memory_space<vmem>>)
        tpu.yield
      }) : () -> ()
      %dma_start3A = arith.constant 0 : i32
      %dma_start3A_9 = tpu.memref_slice %arg6[%dma_start3A] : memref<3128xf32, #tpu.memory_space<vmem>> -> memref<1560xf32, #tpu.memory_space<vmem>>
      %dma_start3A_10 = arith.constant 0 : i32
      %dma_start3A_11 = tpu.memref_slice %arg5[%dma_start3A_10] : memref<3128xi32, #tpu.memory_space<vmem>> -> memref<1560xi32, #tpu.memory_space<vmem>>
      %dma_start3A_12 = arith.constant 0 : i32
      %dma_start3A_13 = tpu.memref_slice %arg2[%dma_start3A_12] : memref<1000448xf32, #tpu.memory_space<hbm>> -> memref<1000448xf32, #tpu.memory_space<hbm>>
      tpu.enqueue_indirect_dma source(%dma_start3A_13 : memref<1000448xf32, #tpu.memory_space<hbm>>) target(%dma_start3A_9 : memref<1560xf32, #tpu.memory_space<vmem>>) offsets(%dma_start3A_11 : memref<1560xi32, #tpu.memory_space<vmem>>) semaphore(%arg7 : memref<!tpu.dma_semaphore, #tpu.memory_space<semaphore_mem>>)
      %add3A_14 = arith.constant 1560 : i32
      %add3A_15 = arith.addi %mul3A_8, %add3A_14 : i32
      "tpu.region"() ({
        %run_scoped3A = tpu.sem_alloc : memref<!tpu.dma_semaphore, #tpu.memory_space<semaphore_mem>>
        %dma_start3A_35 = arith.constant 1560 : i32
        %dma_start3A_36 = tpu.memref_slice %arg5[%dma_start3A_35] : memref<3128xi32, #tpu.memory_space<vmem>> -> memref<1568xi32, #tpu.memory_space<vmem>>
        %dma_start3A_37 = tpu.memref_slice %arg3[%add3A_15] : memref<100000xi32, #tpu.memory_space<hbm>> -> memref<1568xi32, #tpu.memory_space<hbm>>
        %dma_start3A_38 = arith.constant 1560 : i32
        %dma_start3A_39 = tpu.memref_slice %arg5[%dma_start3A_38] : memref<3128xi32, #tpu.memory_space<vmem>> -> memref<1568xi32, #tpu.memory_space<vmem>>
        %dma_start3A_40 = tpu.memref_slice %arg3[%add3A_15] : memref<100000xi32, #tpu.memory_space<hbm>> -> memref<1568xi32, #tpu.memory_space<hbm>>
        tpu.enqueue_dma source(%dma_start3A_40 : memref<1568xi32, #tpu.memory_space<hbm>>) target(%dma_start3A_39 : memref<1568xi32, #tpu.memory_space<vmem>>) target_semaphore(%run_scoped3A : memref<!tpu.dma_semaphore, #tpu.memory_space<semaphore_mem>>)
        %dma_wait3A_41 = arith.constant 1560 : i32
        %dma_wait3A_42 = tpu.memref_slice %arg5[%dma_wait3A_41] : memref<3128xi32, #tpu.memory_space<vmem>> -> memref<1568xi32, #tpu.memory_space<vmem>>
        %dma_wait3A_43 = tpu.memref_slice %arg3[%add3A_15] : memref<100000xi32, #tpu.memory_space<hbm>> -> memref<1568xi32, #tpu.memory_space<hbm>>
        %dma_wait3A_44 = arith.constant 1560 : i32
        %dma_wait3A_45 = tpu.memref_slice %arg5[%dma_wait3A_44] : memref<3128xi32, #tpu.memory_space<vmem>> -> memref<1568xi32, #tpu.memory_space<vmem>>
        %dma_wait3A_46 = tpu.memref_slice %arg3[%add3A_15] : memref<100000xi32, #tpu.memory_space<hbm>> -> memref<1568xi32, #tpu.memory_space<hbm>>
        tpu.wait_dma2 semaphore(%run_scoped3A : memref<!tpu.dma_semaphore, #tpu.memory_space<semaphore_mem>>) src(%dma_wait3A_46 : memref<1568xi32, #tpu.memory_space<hbm>>) dst(%dma_wait3A_45 : memref<1568xi32, #tpu.memory_space<vmem>>)
        tpu.yield
      }) : () -> ()
      %dma_start3A_16 = arith.constant 1560 : i32
      %dma_start3A_17 = tpu.memref_slice %arg6[%dma_start3A_16] : memref<3128xf32, #tpu.memory_space<vmem>> -> memref<1568xf32, #tpu.memory_space<vmem>>
      %dma_start3A_18 = arith.constant 1560 : i32
      %dma_start3A_19 = tpu.memref_slice %arg5[%dma_start3A_18] : memref<3128xi32, #tpu.memory_space<vmem>> -> memref<1568xi32, #tpu.memory_space<vmem>>
      %dma_start3A_20 = arith.constant 0 : i32
      %dma_start3A_21 = tpu.memref_slice %arg2[%dma_start3A_20] : memref<1000448xf32, #tpu.memory_space<hbm>> -> memref<1000448xf32, #tpu.memory_space<hbm>>
      tpu.enqueue_indirect_dma source(%dma_start3A_21 : memref<1000448xf32, #tpu.memory_space<hbm>>) target(%dma_start3A_17 : memref<1568xf32, #tpu.memory_space<vmem>>) offsets(%dma_start3A_19 : memref<1568xi32, #tpu.memory_space<vmem>>) semaphore(%arg8 : memref<!tpu.dma_semaphore, #tpu.memory_space<semaphore_mem>>)
      %dma_wait3A = arith.constant 0 : i32
      %dma_wait3A_22 = tpu.memref_slice %arg6[%dma_wait3A] : memref<3128xf32, #tpu.memory_space<vmem>> -> memref<1560xf32, #tpu.memory_space<vmem>>
      %dma_wait3A_23 = arith.constant 0 : i32
      %dma_wait3A_24 = tpu.memref_slice %arg5[%dma_wait3A_23] : memref<3128xi32, #tpu.memory_space<vmem>> -> memref<1560xi32, #tpu.memory_space<vmem>>
      %dma_wait3A_25 = arith.constant 0 : i32
      %dma_wait3A_26 = tpu.memref_slice %arg2[%dma_wait3A_25] : memref<1000448xf32, #tpu.memory_space<hbm>> -> memref<1000448xf32, #tpu.memory_space<hbm>>
      tpu.wait_indirect_dma semaphore(%arg7 : memref<!tpu.dma_semaphore, #tpu.memory_space<semaphore_mem>>) src(%dma_wait3A_26 : memref<1000448xf32, #tpu.memory_space<hbm>>) dst(%dma_wait3A_22 : memref<1560xf32, #tpu.memory_space<vmem>>)
      "tpu.region"() ({
        %run_scoped3A = tpu.sem_alloc : memref<!tpu.dma_semaphore, #tpu.memory_space<semaphore_mem>>
        %dma_start3A_35 = arith.constant 0 : i32
        %dma_start3A_36 = tpu.memref_slice %arg6[%dma_start3A_35] : memref<3128xf32, #tpu.memory_space<vmem>> -> memref<1560xf32, #tpu.memory_space<vmem>>
        %dma_start3A_37 = tpu.memref_slice %arg4[%mul3A_8] : memref<100000xf32, #tpu.memory_space<hbm>> -> memref<1560xf32, #tpu.memory_space<hbm>>
        %dma_start3A_38 = tpu.memref_slice %arg4[%mul3A_8] : memref<100000xf32, #tpu.memory_space<hbm>> -> memref<1560xf32, #tpu.memory_space<hbm>>
        %dma_start3A_39 = arith.constant 0 : i32
        %dma_start3A_40 = tpu.memref_slice %arg6[%dma_start3A_39] : memref<3128xf32, #tpu.memory_space<vmem>> -> memref<1560xf32, #tpu.memory_space<vmem>>
        tpu.enqueue_dma source(%dma_start3A_40 : memref<1560xf32, #tpu.memory_space<vmem>>) target(%dma_start3A_38 : memref<1560xf32, #tpu.memory_space<hbm>>) target_semaphore(%run_scoped3A : memref<!tpu.dma_semaphore, #tpu.memory_space<semaphore_mem>>)
        %dma_wait3A_41 = arith.constant 0 : i32
        %dma_wait3A_42 = tpu.memref_slice %arg6[%dma_wait3A_41] : memref<3128xf32, #tpu.memory_space<vmem>> -> memref<1560xf32, #tpu.memory_space<vmem>>
        %dma_wait3A_43 = tpu.memref_slice %arg4[%mul3A_8] : memref<100000xf32, #tpu.memory_space<hbm>> -> memref<1560xf32, #tpu.memory_space<hbm>>
        %dma_wait3A_44 = tpu.memref_slice %arg4[%mul3A_8] : memref<100000xf32, #tpu.memory_space<hbm>> -> memref<1560xf32, #tpu.memory_space<hbm>>
        %dma_wait3A_45 = arith.constant 0 : i32
        %dma_wait3A_46 = tpu.memref_slice %arg6[%dma_wait3A_45] : memref<3128xf32, #tpu.memory_space<vmem>> -> memref<1560xf32, #tpu.memory_space<vmem>>
        tpu.wait_dma2 semaphore(%run_scoped3A : memref<!tpu.dma_semaphore, #tpu.memory_space<semaphore_mem>>) src(%dma_wait3A_46 : memref<1560xf32, #tpu.memory_space<vmem>>) dst(%dma_wait3A_44 : memref<1560xf32, #tpu.memory_space<hbm>>)
        tpu.yield
      }) : () -> ()
      %dma_wait3A_27 = arith.constant 1560 : i32
      %dma_wait3A_28 = tpu.memref_slice %arg6[%dma_wait3A_27] : memref<3128xf32, #tpu.memory_space<vmem>> -> memref<1568xf32, #tpu.memory_space<vmem>>
      %dma_wait3A_29 = arith.constant 1560 : i32
      %dma_wait3A_30 = tpu.memref_slice %arg5[%dma_wait3A_29] : memref<3128xi32, #tpu.memory_space<vmem>> -> memref<1568xi32, #tpu.memory_space<vmem>>
      %dma_wait3A_31 = arith.constant 0 : i32
      %dma_wait3A_32 = tpu.memref_slice %arg2[%dma_wait3A_31] : memref<1000448xf32, #tpu.memory_space<hbm>> -> memref<1000448xf32, #tpu.memory_space<hbm>>
      tpu.wait_indirect_dma semaphore(%arg8 : memref<!tpu.dma_semaphore, #tpu.memory_space<semaphore_mem>>) src(%dma_wait3A_32 : memref<1000448xf32, #tpu.memory_space<hbm>>) dst(%dma_wait3A_28 : memref<1568xf32, #tpu.memory_space<vmem>>)
      %add3A_33 = arith.constant 1560 : i32
      %add3A_34 = arith.addi %mul3A_8, %add3A_33 : i32
      "tpu.region"() ({
        %run_scoped3A = tpu.sem_alloc : memref<!tpu.dma_semaphore, #tpu.memory_space<semaphore_mem>>
        %dma_start3A_35 = arith.constant 1560 : i32
        %dma_start3A_36 = tpu.memref_slice %arg6[%dma_start3A_35] : memref<3128xf32, #tpu.memory_space<vmem>> -> memref<1568xf32, #tpu.memory_space<vmem>>
        %dma_start3A_37 = tpu.memref_slice %arg4[%add3A_34] : memref<100000xf32, #tpu.memory_space<hbm>> -> memref<1568xf32, #tpu.memory_space<hbm>>
        %dma_start3A_38 = tpu.memref_slice %arg4[%add3A_34] : memref<100000xf32, #tpu.memory_space<hbm>> -> memref<1568xf32, #tpu.memory_space<hbm>>
        %dma_start3A_39 = arith.constant 1560 : i32
        %dma_start3A_40 = tpu.memref_slice %arg6[%dma_start3A_39] : memref<3128xf32, #tpu.memory_space<vmem>> -> memref<1568xf32, #tpu.memory_space<vmem>>
        tpu.enqueue_dma source(%dma_start3A_40 : memref<1568xf32, #tpu.memory_space<vmem>>) target(%dma_start3A_38 : memref<1568xf32, #tpu.memory_space<hbm>>) target_semaphore(%run_scoped3A : memref<!tpu.dma_semaphore, #tpu.memory_space<semaphore_mem>>)
        %dma_wait3A_41 = arith.constant 1560 : i32
        %dma_wait3A_42 = tpu.memref_slice %arg6[%dma_wait3A_41] : memref<3128xf32, #tpu.memory_space<vmem>> -> memref<1568xf32, #tpu.memory_space<vmem>>
        %dma_wait3A_43 = tpu.memref_slice %arg4[%add3A_34] : memref<100000xf32, #tpu.memory_space<hbm>> -> memref<1568xf32, #tpu.memory_space<hbm>>
        %dma_wait3A_44 = tpu.memref_slice %arg4[%add3A_34] : memref<100000xf32, #tpu.memory_space<hbm>> -> memref<1568xf32, #tpu.memory_space<hbm>>
        %dma_wait3A_45 = arith.constant 1560 : i32
        %dma_wait3A_46 = tpu.memref_slice %arg6[%dma_wait3A_45] : memref<3128xf32, #tpu.memory_space<vmem>> -> memref<1568xf32, #tpu.memory_space<vmem>>
        tpu.wait_dma2 semaphore(%run_scoped3A : memref<!tpu.dma_semaphore, #tpu.memory_space<semaphore_mem>>) src(%dma_wait3A_46 : memref<1568xf32, #tpu.memory_space<vmem>>) dst(%dma_wait3A_44 : memref<1568xf32, #tpu.memory_space<hbm>>)
        tpu.yield
      }) : () -> ()
    } else {
    }
    %eq3A = arith.constant 31 : i32
    %eq3A_3 = arith.cmpi eq, %add3A, %eq3A : i32
    %convert_element_type3A_4 = arith.extui %eq3A_3 : i1 to i32
    %cond3A_5 = arith.constant 0 : i32
    %cond3A_6 = arith.cmpi ne, %convert_element_type3A_4, %cond3A_5 : i32
    scf.if %cond3A_6 {
      "tpu.region"() ({
        %run_scoped3A = tpu.sem_alloc : memref<!tpu.dma_semaphore, #tpu.memory_space<semaphore_mem>>
        %dma_start3A_29 = arith.constant 0 : i32
        %dma_start3A_30 = tpu.memref_slice %arg5[%dma_start3A_29] : memref<3128xi32, #tpu.memory_space<vmem>> -> memref<1512xi32, #tpu.memory_space<vmem>>
        %dma_start3A_31 = arith.constant 96968 : i32
        %dma_start3A_32 = tpu.memref_slice %arg3[%dma_start3A_31] : memref<100000xi32, #tpu.memory_space<hbm>> -> memref<1512xi32, #tpu.memory_space<hbm>>
        %dma_start3A_33 = arith.constant 0 : i32
        %dma_start3A_34 = tpu.memref_slice %arg5[%dma_start3A_33] : memref<3128xi32, #tpu.memory_space<vmem>> -> memref<1512xi32, #tpu.memory_space<vmem>>
        %dma_start3A_35 = arith.constant 96968 : i32
        %dma_start3A_36 = tpu.memref_slice %arg3[%dma_start3A_35] : memref<100000xi32, #tpu.memory_space<hbm>> -> memref<1512xi32, #tpu.memory_space<hbm>>
        tpu.enqueue_dma source(%dma_start3A_36 : memref<1512xi32, #tpu.memory_space<hbm>>) target(%dma_start3A_34 : memref<1512xi32, #tpu.memory_space<vmem>>) target_semaphore(%run_scoped3A : memref<!tpu.dma_semaphore, #tpu.memory_space<semaphore_mem>>)
        %dma_wait3A_37 = arith.constant 0 : i32
        %dma_wait3A_38 = tpu.memref_slice %arg5[%dma_wait3A_37] : memref<3128xi32, #tpu.memory_space<vmem>> -> memref<1512xi32, #tpu.memory_space<vmem>>
        %dma_wait3A_39 = arith.constant 96968 : i32
        %dma_wait3A_40 = tpu.memref_slice %arg3[%dma_wait3A_39] : memref<100000xi32, #tpu.memory_space<hbm>> -> memref<1512xi32, #tpu.memory_space<hbm>>
        %dma_wait3A_41 = arith.constant 0 : i32
        %dma_wait3A_42 = tpu.memref_slice %arg5[%dma_wait3A_41] : memref<3128xi32, #tpu.memory_space<vmem>> -> memref<1512xi32, #tpu.memory_space<vmem>>
        %dma_wait3A_43 = arith.constant 96968 : i32
        %dma_wait3A_44 = tpu.memref_slice %arg3[%dma_wait3A_43] : memref<100000xi32, #tpu.memory_space<hbm>> -> memref<1512xi32, #tpu.memory_space<hbm>>
        tpu.wait_dma2 semaphore(%run_scoped3A : memref<!tpu.dma_semaphore, #tpu.memory_space<semaphore_mem>>) src(%dma_wait3A_44 : memref<1512xi32, #tpu.memory_space<hbm>>) dst(%dma_wait3A_42 : memref<1512xi32, #tpu.memory_space<vmem>>)
        tpu.yield
      }) : () -> ()
      %dma_start3A = arith.constant 0 : i32
      %dma_start3A_7 = tpu.memref_slice %arg6[%dma_start3A] : memref<3128xf32, #tpu.memory_space<vmem>> -> memref<1512xf32, #tpu.memory_space<vmem>>
      %dma_start3A_8 = arith.constant 0 : i32
      %dma_start3A_9 = tpu.memref_slice %arg5[%dma_start3A_8] : memref<3128xi32, #tpu.memory_space<vmem>> -> memref<1512xi32, #tpu.memory_space<vmem>>
      %dma_start3A_10 = arith.constant 0 : i32
      %dma_start3A_11 = tpu.memref_slice %arg2[%dma_start3A_10] : memref<1000448xf32, #tpu.memory_space<hbm>> -> memref<1000448xf32, #tpu.memory_space<hbm>>
      tpu.enqueue_indirect_dma source(%dma_start3A_11 : memref<1000448xf32, #tpu.memory_space<hbm>>) target(%dma_start3A_7 : memref<1512xf32, #tpu.memory_space<vmem>>) offsets(%dma_start3A_9 : memref<1512xi32, #tpu.memory_space<vmem>>) semaphore(%arg7 : memref<!tpu.dma_semaphore, #tpu.memory_space<semaphore_mem>>)
      "tpu.region"() ({
        %run_scoped3A = tpu.sem_alloc : memref<!tpu.dma_semaphore, #tpu.memory_space<semaphore_mem>>
        %dma_start3A_29 = arith.constant 1512 : i32
        %dma_start3A_30 = tpu.memref_slice %arg5[%dma_start3A_29] : memref<3128xi32, #tpu.memory_space<vmem>> -> memref<1520xi32, #tpu.memory_space<vmem>>
        %dma_start3A_31 = arith.constant 98480 : i32
        %dma_start3A_32 = tpu.memref_slice %arg3[%dma_start3A_31] : memref<100000xi32, #tpu.memory_space<hbm>> -> memref<1520xi32, #tpu.memory_space<hbm>>
        %dma_start3A_33 = arith.constant 1512 : i32
        %dma_start3A_34 = tpu.memref_slice %arg5[%dma_start3A_33] : memref<3128xi32, #tpu.memory_space<vmem>> -> memref<1520xi32, #tpu.memory_space<vmem>>
        %dma_start3A_35 = arith.constant 98480 : i32
        %dma_start3A_36 = tpu.memref_slice %arg3[%dma_start3A_35] : memref<100000xi32, #tpu.memory_space<hbm>> -> memref<1520xi32, #tpu.memory_space<hbm>>
        tpu.enqueue_dma source(%dma_start3A_36 : memref<1520xi32, #tpu.memory_space<hbm>>) target(%dma_start3A_34 : memref<1520xi32, #tpu.memory_space<vmem>>) target_semaphore(%run_scoped3A : memref<!tpu.dma_semaphore, #tpu.memory_space<semaphore_mem>>)
        %dma_wait3A_37 = arith.constant 1512 : i32
        %dma_wait3A_38 = tpu.memref_slice %arg5[%dma_wait3A_37] : memref<3128xi32, #tpu.memory_space<vmem>> -> memref<1520xi32, #tpu.memory_space<vmem>>
        %dma_wait3A_39 = arith.constant 98480 : i32
        %dma_wait3A_40 = tpu.memref_slice %arg3[%dma_wait3A_39] : memref<100000xi32, #tpu.memory_space<hbm>> -> memref<1520xi32, #tpu.memory_space<hbm>>
        %dma_wait3A_41 = arith.constant 1512 : i32
        %dma_wait3A_42 = tpu.memref_slice %arg5[%dma_wait3A_41] : memref<3128xi32, #tpu.memory_space<vmem>> -> memref<1520xi32, #tpu.memory_space<vmem>>
        %dma_wait3A_43 = arith.constant 98480 : i32
        %dma_wait3A_44 = tpu.memref_slice %arg3[%dma_wait3A_43] : memref<100000xi32, #tpu.memory_space<hbm>> -> memref<1520xi32, #tpu.memory_space<hbm>>
        tpu.wait_dma2 semaphore(%run_scoped3A : memref<!tpu.dma_semaphore, #tpu.memory_space<semaphore_mem>>) src(%dma_wait3A_44 : memref<1520xi32, #tpu.memory_space<hbm>>) dst(%dma_wait3A_42 : memref<1520xi32, #tpu.memory_space<vmem>>)
        tpu.yield
      }) : () -> ()
      %dma_start3A_12 = arith.constant 1512 : i32
      %dma_start3A_13 = tpu.memref_slice %arg6[%dma_start3A_12] : memref<3128xf32, #tpu.memory_space<vmem>> -> memref<1520xf32, #tpu.memory_space<vmem>>
      %dma_start3A_14 = arith.constant 1512 : i32
      %dma_start3A_15 = tpu.memref_slice %arg5[%dma_start3A_14] : memref<3128xi32, #tpu.memory_space<vmem>> -> memref<1520xi32, #tpu.memory_space<vmem>>
      %dma_start3A_16 = arith.constant 0 : i32
      %dma_start3A_17 = tpu.memref_slice %arg2[%dma_start3A_16] : memref<1000448xf32, #tpu.memory_space<hbm>> -> memref<1000448xf32, #tpu.memory_space<hbm>>
      tpu.enqueue_indirect_dma source(%dma_start3A_17 : memref<1000448xf32, #tpu.memory_space<hbm>>) target(%dma_start3A_13 : memref<1520xf32, #tpu.memory_space<vmem>>) offsets(%dma_start3A_15 : memref<1520xi32, #tpu.memory_space<vmem>>) semaphore(%arg8 : memref<!tpu.dma_semaphore, #tpu.memory_space<semaphore_mem>>)
      %dma_wait3A = arith.constant 0 : i32
      %dma_wait3A_18 = tpu.memref_slice %arg6[%dma_wait3A] : memref<3128xf32, #tpu.memory_space<vmem>> -> memref<1512xf32, #tpu.memory_space<vmem>>
      %dma_wait3A_19 = arith.constant 0 : i32
      %dma_wait3A_20 = tpu.memref_slice %arg5[%dma_wait3A_19] : memref<3128xi32, #tpu.memory_space<vmem>> -> memref<1512xi32, #tpu.memory_space<vmem>>
      %dma_wait3A_21 = arith.constant 0 : i32
      %dma_wait3A_22 = tpu.memref_slice %arg2[%dma_wait3A_21] : memref<1000448xf32, #tpu.memory_space<hbm>> -> memref<1000448xf32, #tpu.memory_space<hbm>>
      tpu.wait_indirect_dma semaphore(%arg7 : memref<!tpu.dma_semaphore, #tpu.memory_space<semaphore_mem>>) src(%dma_wait3A_22 : memref<1000448xf32, #tpu.memory_space<hbm>>) dst(%dma_wait3A_18 : memref<1512xf32, #tpu.memory_space<vmem>>)
      "tpu.region"() ({
        %run_scoped3A = tpu.sem_alloc : memref<!tpu.dma_semaphore, #tpu.memory_space<semaphore_mem>>
        %dma_start3A_29 = arith.constant 0 : i32
        %dma_start3A_30 = tpu.memref_slice %arg6[%dma_start3A_29] : memref<3128xf32, #tpu.memory_space<vmem>> -> memref<1512xf32, #tpu.memory_space<vmem>>
        %dma_start3A_31 = arith.constant 96968 : i32
        %dma_start3A_32 = tpu.memref_slice %arg4[%dma_start3A_31] : memref<100000xf32, #tpu.memory_space<hbm>> -> memref<1512xf32, #tpu.memory_space<hbm>>
        %dma_start3A_33 = arith.constant 96968 : i32
        %dma_start3A_34 = tpu.memref_slice %arg4[%dma_start3A_33] : memref<100000xf32, #tpu.memory_space<hbm>> -> memref<1512xf32, #tpu.memory_space<hbm>>
        %dma_start3A_35 = arith.constant 0 : i32
        %dma_start3A_36 = tpu.memref_slice %arg6[%dma_start3A_35] : memref<3128xf32, #tpu.memory_space<vmem>> -> memref<1512xf32, #tpu.memory_space<vmem>>
        tpu.enqueue_dma source(%dma_start3A_36 : memref<1512xf32, #tpu.memory_space<vmem>>) target(%dma_start3A_34 : memref<1512xf32, #tpu.memory_space<hbm>>) target_semaphore(%run_scoped3A : memref<!tpu.dma_semaphore, #tpu.memory_space<semaphore_mem>>)
        %dma_wait3A_37 = arith.constant 0 : i32
        %dma_wait3A_38 = tpu.memref_slice %arg6[%dma_wait3A_37] : memref<3128xf32, #tpu.memory_space<vmem>> -> memref<1512xf32, #tpu.memory_space<vmem>>
        %dma_wait3A_39 = arith.constant 96968 : i32
        %dma_wait3A_40 = tpu.memref_slice %arg4[%dma_wait3A_39] : memref<100000xf32, #tpu.memory_space<hbm>> -> memref<1512xf32, #tpu.memory_space<hbm>>
        %dma_wait3A_41 = arith.constant 96968 : i32
        %dma_wait3A_42 = tpu.memref_slice %arg4[%dma_wait3A_41] : memref<100000xf32, #tpu.memory_space<hbm>> -> memref<1512xf32, #tpu.memory_space<hbm>>
        %dma_wait3A_43 = arith.constant 0 : i32
        %dma_wait3A_44 = tpu.memref_slice %arg6[%dma_wait3A_43] : memref<3128xf32, #tpu.memory_space<vmem>> -> memref<1512xf32, #tpu.memory_space<vmem>>
        tpu.wait_dma2 semaphore(%run_scoped3A : memref<!tpu.dma_semaphore, #tpu.memory_space<semaphore_mem>>) src(%dma_wait3A_44 : memref<1512xf32, #tpu.memory_space<vmem>>) dst(%dma_wait3A_42 : memref<1512xf32, #tpu.memory_space<hbm>>)
        tpu.yield
      }) : () -> ()
      %dma_wait3A_23 = arith.constant 1512 : i32
      %dma_wait3A_24 = tpu.memref_slice %arg6[%dma_wait3A_23] : memref<3128xf32, #tpu.memory_space<vmem>> -> memref<1520xf32, #tpu.memory_space<vmem>>
      %dma_wait3A_25 = arith.constant 1512 : i32
      %dma_wait3A_26 = tpu.memref_slice %arg5[%dma_wait3A_25] : memref<3128xi32, #tpu.memory_space<vmem>> -> memref<1520xi32, #tpu.memory_space<vmem>>
      %dma_wait3A_27 = arith.constant 0 : i32
      %dma_wait3A_28 = tpu.memref_slice %arg2[%dma_wait3A_27] : memref<1000448xf32, #tpu.memory_space<hbm>> -> memref<1000448xf32, #tpu.memory_space<hbm>>
      tpu.wait_indirect_dma semaphore(%arg8 : memref<!tpu.dma_semaphore, #tpu.memory_space<semaphore_mem>>) src(%dma_wait3A_28 : memref<1000448xf32, #tpu.memory_space<hbm>>) dst(%dma_wait3A_24 : memref<1520xf32, #tpu.memory_space<vmem>>)
      "tpu.region"() ({
        %run_scoped3A = tpu.sem_alloc : memref<!tpu.dma_semaphore, #tpu.memory_space<semaphore_mem>>
        %dma_start3A_29 = arith.constant 1512 : i32
        %dma_start3A_30 = tpu.memref_slice %arg6[%dma_start3A_29] : memref<3128xf32, #tpu.memory_space<vmem>> -> memref<1520xf32, #tpu.memory_space<vmem>>
        %dma_start3A_31 = arith.constant 98480 : i32
        %dma_start3A_32 = tpu.memref_slice %arg4[%dma_start3A_31] : memref<100000xf32, #tpu.memory_space<hbm>> -> memref<1520xf32, #tpu.memory_space<hbm>>
        %dma_start3A_33 = arith.constant 98480 : i32
        %dma_start3A_34 = tpu.memref_slice %arg4[%dma_start3A_33] : memref<100000xf32, #tpu.memory_space<hbm>> -> memref<1520xf32, #tpu.memory_space<hbm>>
        %dma_start3A_35 = arith.constant 1512 : i32
        %dma_start3A_36 = tpu.memref_slice %arg6[%dma_start3A_35] : memref<3128xf32, #tpu.memory_space<vmem>> -> memref<1520xf32, #tpu.memory_space<vmem>>
        tpu.enqueue_dma source(%dma_start3A_36 : memref<1520xf32, #tpu.memory_space<vmem>>) target(%dma_start3A_34 : memref<1520xf32, #tpu.memory_space<hbm>>) target_semaphore(%run_scoped3A : memref<!tpu.dma_semaphore, #tpu.memory_space<semaphore_mem>>)
        %dma_wait3A_37 = arith.constant 1512 : i32
        %dma_wait3A_38 = tpu.memref_slice %arg6[%dma_wait3A_37] : memref<3128xf32, #tpu.memory_space<vmem>> -> memref<1520xf32, #tpu.memory_space<vmem>>
        %dma_wait3A_39 = arith.constant 98480 : i32
        %dma_wait3A_40 = tpu.memref_slice %arg4[%dma_wait3A_39] : memref<100000xf32, #tpu.memory_space<hbm>> -> memref<1520xf32, #tpu.memory_space<hbm>>
        %dma_wait3A_41 = arith.constant 98480 : i32
        %dma_wait3A_42 = tpu.memref_slice %arg4[%dma_wait3A_41] : memref<100000xf32, #tpu.memory_space<hbm>> -> memref<1520xf32, #tpu.memory_space<hbm>>
        %dma_wait3A_43 = arith.constant 1512 : i32
        %dma_wait3A_44 = tpu.memref_slice %arg6[%dma_wait3A_43] : memref<3128xf32, #tpu.memory_space<vmem>> -> memref<1520xf32, #tpu.memory_space<vmem>>
        tpu.wait_dma2 semaphore(%run_scoped3A : memref<!tpu.dma_semaphore, #tpu.memory_space<semaphore_mem>>) src(%dma_wait3A_44 : memref<1520xf32, #tpu.memory_space<vmem>>) dst(%dma_wait3A_42 : memref<1520xf32, #tpu.memory_space<hbm>>)
        tpu.yield
      }) : () -> ()
    } else {
    }
    return
  }
}

</mosaic_0001>

<sc_bundles>
// kernel: holdout_gather_t.3.cloned.1.call-start
scs
__scs_entry_jumppad:
0x0: {  	(pc) =	sbr.rel $0x88, $3  }
0x1: {  	(tag) =	ssettag $0x0;
	lr =	simm.s32 $0x1  }
0x2: {  	[smem:$0x3F9E] =	sst lr;
	_ =	strace $0xD0000000  }
0x3: {  	_ = 	snop  }
0x4: {  	_ = 	snop  }
0x5: {  	_ = 	snop  }
0x6: {  	_ = 	snop  }
0x7: {  	_ = 	snop  }
__scs_overlays_trampoline_lowered:
0x8: {  	[smem:$0x3FAD] =	sst s0  }
0x9: {  	[smem:$0x3FAE] =	sst s1  }
0xa: {  	[smem:$0x3FAF] =	sst s2  }
0xb: {  	[smem:$0x3FB0] =	sst s3  }
0xc: {  	[smem:$0x3FB1] =	sst s4  }
0xd: {  	[smem:$0x3FB2] =	sst s5  }
0xe: {  	[smem:$0x3FB3] =	sst s6  }
0xf: {  	[smem:$0x3FB4] =	sst s7  }
0x10: {  	[smem:$0x3FB5] =	sst s8  }
0x11: {  	[smem:$0x3FB6] =	sst s9;
	s0 =	simm.s32 @!p0 $0x0  }
0x12: {  	s1 =	sld [smem:$0x3F9C];
	s0 =	simm.s32 @p0 $0x1  }
0x13: {  	[smem:$0x3FB7] =	sst s0;
	s0 =	simm.s32 @!p1 $0x0  }
0x14: {  	s2 =	sld [smem:$0x3F9B];
	s0 =	simm.s32 @p1 $0x1  }
0x15: {  	[smem:$0x3FB8] =	sst s0;
	s0 =	simm.s32 @!p2 $0x0  }
0x16: {  	s3 =	sld [smem:$0x3FDB];
	s0 =	simm.s32 @p2 $0x1  }
0x17: {  	s4 =	simm.s32 $0x1BF5;
	[smem:$0x3FBA] =	sst s0  }
0x18: {  	s0 =	sld [smem:$0x3F9D];
	_ =	swait.ge [sflag:s4], $0x0  }
0x19: {  	s7 =	sld [smem:$0x3F9E]  }
0x1a: {  	s8 =	sadd.s32 $0xFFFFE003, lr  }
0x1b: {  	s9 =	sadd.s32 $0xFFFFFEF7, lr;
	s5 =	simm.s32 $0xFFFFFFFF;
	p2 =	slt.u32 s8, $0xFFFFF086  }
0x1c: {  	p1 =	slt.u32 s9, $0xF7A;
	s5 =	simm.s32 @!p2 $0x0  }
0x1d: {  	s5 =	simm.s32 @p1 $0x1;
	p0 =	seq.s32 s7, s2  }
0x1e: {  	s7 =	smul.u32 @!p0 $0xF7A, s2;
	p2 =	seq.s32 @!p0 s5, $0x0  }
0x1f: {  	s9 =	smul.u32 $0xF7A, s1;
	s8 =	simm.s32 @!p0 $0x1BF5;
	p2 =	por !p2, p0  }
0x20: {  	[sflag:s8] =	ssyncset.s32 @!p0 $0xFFFFF086;
	s6 =	sadd.s32 @!p0 s3, s7;
	s7 =	simm.s32 @!p0 $0x108  }
0x21: {  	s3 =	sadd.s32 s3, s9;
	s6 =	sadd.s32 @!p0 $0x88, s6;
	s7 =	simm.s32 @p2 $0x1082  }
0x22: {  	[simem:s7], [sflag:s8] =	dma.local @!p0 [hbm:s6], $0xF7A  }
0x23: {  	s9 =	sor.u32 $0xD0000000, s2;
	s6 =	simm.s32 $0x108;
	_ =	swait.ge @!p0 [sflag:s8], $0x0  }
0x24: {  	s3 =	sadd.s32 $0x88, s3;
	s6 =	simm.s32 @!p1 $0x1082;
	[sflag:s4] =	ssyncset.s32 $0xFFFFF086  }
0x25: {  	[simem:s6], [sflag:s4] =	dma.local [hbm:s3], $0xF7A  }
0x26: {  	[smem:$0x3F9E] =	sst s1;
	(tag) =	ssettag s2;
	_ =	strace s9  }
0x27: {  	s1 =	sld [smem:$0x3FAE]  }
0x28: {  	s2 =	sld [smem:$0x3FAF]  }
0x29: {  	s4 =	sld [smem:$0x3FB1]  }
0x2a: {  	p0 =	seq.s32 s5, $0x0;
	s5 =	sld [smem:$0x3FB2]  }
0x2b: {  	s6 =	sld [smem:$0x3FB3]  }
0x2c: {  	s7 =	sld [smem:$0x3FB4]  }
0x2d: {  	s3 =	simm.s32 $0x108;
	s8 =	sld [smem:$0x3FB5]  }
0x2e: {  	s3 =	simm.s32 @!p0 $0x1082;
	s9 =	sld [smem:$0x3FB6]  }
0x2f: {  	lr =	sadd.s32 s0, s3;
	s0 =	sld [smem:$0x3FAD]  }
0x30: {  	s3 =	sld [smem:$0x3FB0]  }
0x31: {  	[smem:$0x3FB9] =	sst s10  }
0x32: {  	s10 =	sld [smem:$0x3FB7];
	_ =	sdelay $0x3  }
0x33: {  	p0 =	seq.s32 s10, $0x1;
	s10 =	sld [smem:$0x3FB9];
	_ =	sdelay $0x3  }
0x34: {  	[smem:$0x3FB9] =	sst s10  }
0x35: {  	s10 =	sld [smem:$0x3FB8];
	_ =	sdelay $0x3  }
0x36: {  	p1 =	seq.s32 s10, $0x1;
	s10 =	sld [smem:$0x3FB9];
	_ =	sdelay $0x3  }
0x37: {  	[smem:$0x3FB9] =	sst s10  }
0x38: {  	s10 =	sld [smem:$0x3FBA]  }
0x39: {  	_ = 	snop;
	(pc) =	sbr.ind lr, $3  }
0x3a: {  	_ = 	snop  }
0x3b: {  	_ = 	snop  }
0x3c: {  	p2 =	seq.s32 s10, $0x1;
	s10 =	sld [smem:$0x3FB9]  }
0x3d: {  	_ =	shalt  }
0x3e: {  	_ =	shalt  }
0x3f: {  	_ =	shalt  }
0x40: {  	_ =	shalt  }
0x41: {  	_ =	shalt  }
0x42: {  	_ =	shalt  }
0x43: {  	_ =	shalt  }
0x44: {  	_ =	shalt  }
0x45: {  	_ =	shalt  }
0x46: {  	_ =	shalt  }
0x47: {  	_ =	shalt  }
0x48: {  	_ =	shalt  }
0x49: {  	_ =	shalt  }
0x4a: {  	_ =	shalt  }
0x4b: {  	_ =	shalt  }
0x4c: {  	_ =	shalt  }
0x4d: {  	_ =	shalt  }
0x4e: {  	_ =	shalt  }
0x4f: {  	_ =	shalt  }
0x50: {  	_ =	shalt  }
0x51: {  	_ =	shalt  }
0x52: {  	_ =	shalt  }
0x53: {  	_ =	shalt  }
0x54: {  	_ =	shalt  }
0x55: {  	_ =	shalt  }
0x56: {  	_ =	shalt  }
0x57: {  	_ =	shalt  }
0x58: {  	_ =	shalt  }
0x59: {  	_ =	shalt  }
0x5a: {  	_ =	shalt  }
0x5b: {  	_ =	shalt  }
0x5c: {  	_ =	shalt  }
0x5d: {  	_ =	shalt  }
0x5e: {  	_ =	shalt  }
0x5f: {  	_ =	shalt  }
0x60: {  	_ =	shalt  }
0x61: {  	_ =	shalt  }
0x62: {  	_ =	shalt  }
0x63: {  	_ =	shalt  }
0x64: {  	_ =	shalt  }
0x65: {  	_ =	shalt  }
0x66: {  	_ =	shalt  }
0x67: {  	_ =	shalt  }
0x68: {  	_ =	shalt  }
0x69: {  	_ =	shalt  }
0x6a: {  	_ =	shalt  }
0x6b: {  	_ =	shalt  }
0x6c: {  	_ =	shalt  }
0x6d: {  	_ =	shalt  }
0x6e: {  	_ =	shalt  }
0x6f: {  	_ =	shalt  }
0x70: {  	_ =	shalt  }
0x71: {  	_ =	shalt  }
0x72: {  	_ =	shalt  }
0x73: {  	_ =	shalt  }
0x74: {  	_ =	shalt  }
0x75: {  	_ =	shalt  }
0x76: {  	_ =	shalt  }
0x77: {  	_ =	shalt  }
0x78: {  	_ =	shalt  }
0x79: {  	_ =	shalt  }
0x7a: {  	_ =	shalt  }
0x7b: {  	_ =	shalt  }
0x7c: {  	_ =	shalt  }
0x7d: {  	_ =	shalt  }
0x7e: {  	_ =	shalt  }
0x7f: {  	_ =	shalt  }
0x80: {  	_ =	shalt  }
0x81: {  	_ =	shalt  }
0x82: {  	_ =	shalt  }
0x83: {  	_ =	shalt  }
0x84: {  	_ =	shalt  }
0x85: {  	_ =	shalt  }
0x86: {  	_ =	shalt  }
0x87: {  	_ =	shalt  }
.Lfunc_end0:
.L_simem_size_0:
called_computation_lowered:
.L_overlay_start_0:
0x88: {  	s2 =	sld [smem:$0x3FD9]  }
0x89: {  	s3 =	sld [smem:$0x3FFE];
	_ =	sdelay $0x1  }
0x8a: {  	s1 =	srdreg.scid  }
0x8b: {  	s0 =	sand.u32 $0x1, s1  }
0x8c: {  	s17 =	sshll.u32 s0, $0xA;
	s2 =	sadd.s32 s3, s2  }
0x8d: {  	s2 =	sadd.s32 s2, s17  }
0x8e: {  	[smem:$0x3FC5] =	sst s2  }
0x8f: {  	_ = 	snop  }
0x90: {  	s18 =	sld [smem:$0x3FC7];
	(tm) =	ssettm $0x1  }
0x91: {  	s19 =	sld [smem:$0x3FFB];
	_ =	sdelay $0x3  }
0x92: {  	_ =	strace s19  }
0x93: {  	s2 =	sld [smem:$0x3FFC];
	_ =	sdelay $0x3  }
0x94: {  	_ =	strace s2  }
0x95: {  	s2 =	sld [smem:$0x3FFD];
	_ =	sdelay $0x3  }
0x96: {  	_ =	strace s2  }
0x97: {  	_ =	strace $0x8FFFFFFF  }
0x98: {  	s20 =	sld [smem:$0x3FDB];
	_ =	sdelay $0x1  }
0x99: {  	s4 =	simm.s32 $_scs_section_size  }
0x9a: {  	s5 =	simm.s32 $_size__tile_overlayer_lowered;
	s6 =	simm.s32 $_tile_overlayer_lowered  }
0x9b: {  	s7 =	simm.s32 $0x1BFF;
	s21 =	sshll.u32 s6, $0x1;
	s4 =	sadd.s32 s4, s20  }
0x9c: {  	s22 =	simm.s32 $0x0;
	s5 =	sshll.u32 s5, $0x1;
	s6 =	sadd.s32 s21, s4  }
0x9d: {  	[timem:s22], [sflag:s7] =	dma.local [hbm:s6], s5  }
0x9e: {  	_ =	swait.ge [sflag:s7], s5  }
0x9f: {  	s5 =	ssub.s32 $0x0, s5;
	[sflag:s7] =	ssyncset.done $0x0  }
0xa0: {  	[sflag:s7] =	ssyncadd.s32 s5;
	_ =	sdelay $0x1  }
0xa1: {  	s23 =	simm.s32 $0x1B8B  }
0xa2: {  	_ =	swait.ge [sflag:s23], $0x1  }
0xa3: {  	[sflag:s23] =	ssyncset.done $0x0  }
0xa4: {  	[sflag:s23] =	ssyncadd.s32 $0xFFFFFFFF  }
0xa5: {  	s5 =	sld [smem:$0x0]  }
0xa6: {  	s6 =	sand.u32 $0xFFFFFFFE, s1  }
0xa7: {  	p0 =	sne.s32 s1, s6  }
0xa8: {  	s6 =	sshll.u32 @p0 s6, $0xE  }
0xa9: {  	s6 =	sadd.s32 @p0 $0x11B8D, s6;
	s7 =	sshll.u32 @p0 s5, $0x11  }
0xaa: {  	s6 =	sor.u32 @p0 s7, s6  }
0xab: {  	[sflag:s6] =	ssyncadd.remote.s32 @p0 $0x1;
	_ =	sdelay $0x1  }
0xac: {  	s6 =	simm.s32 @p0 $0x1B8D  }
0xad: {  	_ =	swait.eq @p0 [sflag:s6], $0x1  }
0xae: {  	[sflag:s6] =	ssyncadd.s32 @p0 $0xFFFFFFFF  }
0xaf: {  	s7 =	sshll.u32 @!p0 s1, $0xE  }
0xb0: {  	s7 =	sor.u32 @!p0 $0x4000, s7;
	s6 =	simm.s32 @!p0 $0x1B8D  }
0xb1: {  	s5 =	sshll.u32 @!p0 s5, $0x11;
	s7 =	sadd.s32 @!p0 $0x11B8D, s7;
	_ =	swait.eq @!p0 [sflag:s6], $0x1  }
0xb2: {  	s5 =	sor.u32 @!p0 s5, s7;
	[sflag:s6] =	ssyncadd.s32 @!p0 $0xFFFFFFFF  }
0xb3: {  	s25 =	simm.s32 $0x1B8E;
	s24 =	sld [smem:$0x3FFE];
	[sflag:s5] =	ssyncadd.remote.s32 @!p0 $0x1  }
0xb4: {  	s26 =	simm.s32 $execute0_lowered;
	[smem:$0x3FD2] =	sst s25  }
0xb5: {  	s6 =	sshll.u32 s26, $0x1;
	_ =	strace $0x80000049;
	[dreg:$0x1] =	wrdreg $0xFFFFFFFF  }
0xb6: {  	s28 =	simm.s32 $_size_execute0_lowered;
	s4 =	sadd.s32 s4, s6;
	[dreg:$0x0] =	wrdreg $0x0  }
0xb7: {  	s6 =	sshll.u32 s28, $0x1;
	[dreg:$0x2] =	wrdreg s4  }
0xb8: {  	[dreg:$0x3] =	wrdreg s6  }
0xb9: {  	[dreg:$0x4] =	wrdreg $0xC0  }
0xba: {  	_ =	task [dreg:s22], $0x5FFFF  }
0xbb: {  	[dreg:$0x1] =	wrdreg $0xFFFFFFFF  }
0xbc: {  	[dreg:$0x0] =	wrdreg $0x60  }
0xbd: {  	[dreg:$0x2] =	wrdreg s24  }
0xbe: {  	[dreg:$0x3] =	wrdreg s18  }
0xbf: {  	[dreg:$0x4] =	wrdreg $0x9  }
0xc0: {  	_ =	task.clear_ibuf [dreg:s22], $0x5FFFF;
	_ =	strace $0x90000049  }
0xc1: {  	s29 =	simm.s32 $0x9;
	_ =	strace $0x8000004B  }
0xc2: {  	_ =	swait.ge [sflag:s29], $0x1  }
0xc3: {  	[sflag:s29] =	ssyncadd.s32 $0xFFFFFFFF  }
0xc4: {  	_ =	strace $0x9000004B  }
0xc5: {  	_ =	sfence  }
0xc6: {  	s30 =	sld [smem:$0x0];
	_ =	sdelay $0x2  }
0xc7: {  	s31 =	sshll.u32 s1, $0xD;
	s1 =	sshrl.u32 s1, $0x2  }
0xc8: {  	s4 =	sand.u32 $0x4000, s31;
	s1 =	sadd.s32 s1, s30  }
0xc9: {  	s0 =	sor.u32 s4, s0;
	s1 =	sshll.u32 s1, $0x11  }
0xca: {  	s0 =	sor.u32 s1, s0  }
0xcb: {  	s0 =	sadd.s32 $0x8F2B, s0  }
0xcc: {  	[sflag:s0] =	ssyncadd.remote.s32 $0x1  }
0xcd: {  	_ =	sfence.sel $0xFFFF  }
0xce: {  	[dreg:$0x0] =	wrdreg $0xFFFFFFFF;
	(pc) =	sbr.abs _section_cstart, $3  }
0xcf: {  	[dreg:$0x1] =	wrdreg $0xFFFFFFFF  }
0xd0: {  	_ =	task.clear_ibuf [dreg:s22], $0x2FFFF;
	_ =	strace $0x9FFFFFFF  }
0xd1: {  	(tm) =	ssettm $0x7FFFFFFF  }
tec
execute0_lowered:
.L_overlay_start_1:
0x0: {  	(tag) =	ssettag $0x1  }
0x1: {  	s2 =	srdreg.scid;
	s1 =	stileid.u32  }
0x2: {  	s4 =	sand.u32 $0x1, s2;
	s30 =	sshll.u32 s1, $0x1  }
0x3: {  	s11 =	sor.u32 s4, s30;
	s4 =	ssub.s32 $0x2, s4  }
0x4: {  	s7 =	rddreg [dreg:$0x0];
	s5 =	sshrl.u32 s4, $0x1  }
0x5: {  	s8 =	rddreg [dreg:$0x1];
	s12 =	ssub.s32 s4, s5  }
0x6: {  	s0 =	rddreg [dreg:$0x2];
	s3 =	simm.s32 $0x0;
	s12 =	smax.u32 s12, $0x1  }
0x7: {  	p1 =	por $0x0, $0x0;
	[smem:$0x7FF] =	sst s3;
	s28 =	sadd.s32 $0xFFFFFFFF, s12  }
0x8: {  	s2 =	sadd.s32 $0x22600, s7;
	s31 =	smul.u32 $0xC38, s11;
	p2 =	sne.s32 s28, $0x0  }
.Ltmp0:
0x9: {  	s9 =	sadd.s32 $0x41000, s7;
	_ =	strace $0x8000004A;
	(pc) =	sbr.rel @!p2 .LBB2_3-.Ltmp0, $4  }
0xa: {  	p0 =	seq.s32 s11, $0x1F;
	s10 =	sshrl.u32 s31, $0x3;
	s3 =	sadd.s32 $0x618, s31  }
0xb: {  	s6 =	sadd.s32 s8, s10;
	s3 =	sshrl.u32 s3, $0x3;
	s4 =	sadd.s32 s9, s10  }
0xc: {  	s10 =	sadd.s32 $0x2F59, s8;
	s5 =	sadd.s32 s8, s3;
	s3 =	sadd.s32 s9, s3  }
0xd: {  	s9 =	sadd.s32 $0x3016, s8;
	s8 =	sadd.s32 $0x43F59, s7;
	s7 =	sadd.s32 $0x44016, s7  }
0xe: {  	s11 =	simm.s32 @p0 $0x0;
	s12 =	simm.s32 @p0 $0x3  }
0xf: {  	[tilespmem:s11], [sflag:$0x3] =	stream.linear.gather @p0 [hbm4b:s10+s11], $0x5E8, $0x38;
	[tilespmem:$0x1900] =	vst v63  }
0x10: {  	_ =	swait.ge @p0 [sflag:s12], $0x5E8  }
0x11: {  	[sflag:s12] =	ssyncset.done @p0 $0x0  }
0x12: {  	s13 =	simm.s32 @p0 $0x5E8;
	s14 =	simm.s32 @p0 $0xC80;
	[sflag:s12] =	ssyncadd.s32 @p0 $0xFFFFFA18  }
0x13: {  	[tilespmem:s14], [sflag:$0x1] =	stream.indirect.gather @p0 [hbm4b:s2+s13], $0x1, s11, s13, $0xb8;
	[tilespmem:$0x1900] =	vst v63  }
0x14: {  	_ = 	snop  }
0x15: {  	[tilespmem:s13], [sflag:$0x3] =	stream.linear.gather @p0 [hbm4b:s9+s11], $0x5F0, $0x38;
	[tilespmem:$0x1900] =	vst v63  }
0x16: {  	_ =	swait.ge @p0 [sflag:s12], $0x5F0  }
0x17: {  	s15 =	simm.s32 @p0 $0x1;
	[sflag:s12] =	ssyncset.done @p0 $0x0  }
0x18: {  	s16 =	simm.s32 @p0 $0x5F0;
	s17 =	simm.s32 @p0 $0x1268;
	[sflag:s12] =	ssyncadd.s32 @p0 $0xFFFFFA10  }
0x19: {  	[tilespmem:s17], [sflag:$0x2] =	stream.indirect.gather @p0 [hbm4b:s2+s16], $0x1, s13, s16, $0xb8;
	[tilespmem:$0x1900] =	vst v63  }
0x1a: {  	_ =	swait.ge @p0 [sflag:s15], $0x5E8  }
0x1b: {  	[sflag:s15] =	ssyncset.done @p0 $0x0  }
0x1c: {  	[sflag:s15] =	ssyncadd.s32 @p0 $0xFFFFFA18  }
0x1d: {  	[hbm4b:s8+s11] =	stream.linear.scatter @p0 [tilespmem:s14], [sflag:$0x3], $0x5E8, $0x38;
	[tilespmem:$0x1900] =	vst v63  }
0x1e: {  	_ =	swait.ge @p0 [sflag:s12], $0x5E8  }
0x1f: {  	[sflag:s12] =	ssyncset.done @p0 $0x0  }
0x20: {  	s19 =	simm.s32 @p0 $0x2;
	[sflag:s12] =	ssyncadd.s32 @p0 $0xFFFFFA18  }
0x21: {  	_ =	swait.ge @p0 [sflag:s19], $0x5F0  }
0x22: {  	[sflag:s19] =	ssyncset.done @p0 $0x0  }
0x23: {  	[sflag:s19] =	ssyncadd.s32 @p0 $0xFFFFFA10  }
0x24: {  	[hbm4b:s7+s11] =	stream.linear.scatter @p0 [tilespmem:s17], [sflag:$0x3], $0x5F0, $0x38;
	[tilespmem:$0x1900] =	vst v63  }
0x25: {  	_ =	swait.ge @p0 [sflag:s12], $0x5F0  }
0x26: {  	[sflag:s12] =	ssyncset.done @p0 $0x0  }
0x27: {  	s20 =	simm.s32 @!p0 $0x0;
	s18 =	simm.s32 @!p0 $0x3;
	[sflag:s12] =	ssyncadd.s32 @p0 $0xFFFFFA10  }
0x28: {  	[tilespmem:s20], [sflag:$0x3] =	stream.linear.gather @!p0 [hbm4b:s6+s20], $0x618, $0x38;
	[tilespmem:$0x1900] =	vst v63  }
0x29: {  	_ =	swait.ge @!p0 [sflag:s18], $0x618  }
0x2a: {  	[sflag:s18] =	ssyncset.done @!p0 $0x0  }
0x2b: {  	s21 =	simm.s32 @!p0 $0x618;
	s22 =	simm.s32 @!p0 $0xC80;
	[sflag:s18] =	ssyncadd.s32 @!p0 $0xFFFFF9E8  }
0x2c: {  	[tilespmem:s22], [sflag:$0x1] =	stream.indirect.gather @!p0 [hbm4b:s2+s21], $0x1, s20, s21, $0xb8;
	[tilespmem:$0x1900] =	vst v63  }
0x2d: {  	_ = 	snop  }
0x2e: {  	[tilespmem:s21], [sflag:$0x3] =	stream.linear.gather @!p0 [hbm4b:s5+s20], $0x620, $0x38;
	[tilespmem:$0x1900] =	vst v63  }
0x2f: {  	_ =	swait.ge @!p0 [sflag:s18], $0x620  }
0x30: {  	s23 =	simm.s32 @!p0 $0x1;
	[sflag:s18] =	ssyncset.done @!p0 $0x0  }
0x31: {  	s24 =	simm.s32 @!p0 $0x620;
	s25 =	simm.s32 @!p0 $0x1298;
	[sflag:s18] =	ssyncadd.s32 @!p0 $0xFFFFF9E0  }
0x32: {  	[tilespmem:s25], [sflag:$0x2] =	stream.indirect.gather @!p0 [hbm4b:s2+s24], $0x1, s21, s24, $0xb8;
	[tilespmem:$0x1900] =	vst v63  }
0x33: {  	_ =	swait.ge @!p0 [sflag:s23], $0x618  }
0x34: {  	[sflag:s23] =	ssyncset.done @!p0 $0x0  }
0x35: {  	[sflag:s23] =	ssyncadd.s32 @!p0 $0xFFFFF9E8  }
0x36: {  	[hbm4b:s4+s20] =	stream.linear.scatter @!p0 [tilespmem:s22], [sflag:$0x3], $0x618, $0x38;
	[tilespmem:$0x1900] =	vst v63  }
0x37: {  	_ =	swait.ge @!p0 [sflag:s18], $0x618  }
0x38: {  	[sflag:s18] =	ssyncset.done @!p0 $0x0  }
0x39: {  	s26 =	simm.s32 @!p0 $0x2;
	s28 =	sadd.s32 $0xFFFFFFFF, s28;
	[sflag:s18] =	ssyncadd.s32 @!p0 $0xFFFFF9E8  }
0x3a: {  	p2 =	sne.s32 s28, $0x0;
	_ =	swait.ge @!p0 [sflag:s26], $0x620  }
.Ltmp1:
0x3b: {  	[sflag:s26] =	ssyncset.done @!p0 $0x0;
	(pc) =	sbr.rel @!p2 .LBB2_3-.Ltmp1, $4  }
0x3c: {  	[sflag:s26] =	ssyncadd.s32 @!p0 $0xFFFFF9E0  }
0x3d: {  	[hbm4b:s3+s20] =	stream.linear.scatter @!p0 [tilespmem:s25], [sflag:$0x3], $0x620, $0x38;
	[tilespmem:$0x1900] =	vst v63  }
0x3e: {  	_ =	swait.ge @!p0 [sflag:s18], $0x620  }
0x3f: {  	p1 =	por $0x1, $0x1;
	[sflag:s18] =	ssyncset.done @!p0 $0x0  }
.LBB2_2:
0x40: {  	[sflag:s18] =	ssyncadd.s32 @!p0 $0xFFFFF9E0  }
0x41: {  	[tilespmem:s11], [sflag:$0x3] =	stream.linear.gather @p0 [hbm4b:s10+s11], $0x5E8, $0x38;
	[tilespmem:$0x1900] =	vst v63  }
0x42: {  	s28 =	sadd.s32 $0xFFFFFFFF, s28;
	_ =	swait.ge @p0 [sflag:s12], $0x5E8  }
0x43: {  	p2 =	sne.s32 s28, $0x0;
	[sflag:s12] =	ssyncset.done @p0 $0x0  }
0x44: {  	[sflag:s12] =	ssyncadd.s32 @p0 $0xFFFFFA18  }
0x45: {  	[tilespmem:s14], [sflag:$0x1] =	stream.indirect.gather @p0 [hbm4b:s2+s13], $0x1, s11, s13, $0xb8;
	[tilespmem:$0x1900] =	vst v63  }
0x46: {  	_ = 	snop  }
0x47: {  	[tilespmem:s13], [sflag:$0x3] =	stream.linear.gather @p0 [hbm4b:s9+s11], $0x5F0, $0x38;
	[tilespmem:$0x1900] =	vst v63  }
0x48: {  	_ =	swait.ge @p0 [sflag:s12], $0x5F0  }
0x49: {  	[sflag:s12] =	ssyncset.done @p0 $0x0  }
0x4a: {  	[sflag:s12] =	ssyncadd.s32 @p0 $0xFFFFFA10  }
0x4b: {  	[tilespmem:s17], [sflag:$0x2] =	stream.indirect.gather @p0 [hbm4b:s2+s16], $0x1, s13, s16, $0xb8;
	[tilespmem:$0x1900] =	vst v63  }
0x4c: {  	_ =	swait.ge @p0 [sflag:s15], $0x5E8  }
0x4d: {  	[sflag:s15] =	ssyncset.done @p0 $0x0  }
0x4e: {  	[sflag:s15] =	ssyncadd.s32 @p0 $0xFFFFFA18  }
0x4f: {  	[hbm4b:s8+s11] =	stream.linear.scatter @p0 [tilespmem:s14], [sflag:$0x3], $0x5E8, $0x38;
	[tilespmem:$0x1900] =	vst v63  }
0x50: {  	_ =	swait.ge @p0 [sflag:s12], $0x5E8  }
0x51: {  	[sflag:s12] =	ssyncset.done @p0 $0x0  }
0x52: {  	[sflag:s12] =	ssyncadd.s32 @p0 $0xFFFFFA18  }
0x53: {  	_ =	swait.ge @p0 [sflag:s19], $0x5F0  }
0x54: {  	[sflag:s19] =	ssyncset.done @p0 $0x0  }
0x55: {  	[sflag:s19] =	ssyncadd.s32 @p0 $0xFFFFFA10  }
0x56: {  	[hbm4b:s7+s11] =	stream.linear.scatter @p0 [tilespmem:s17], [sflag:$0x3], $0x5F0, $0x38;
	[tilespmem:$0x1900] =	vst v63  }
0x57: {  	_ =	swait.ge @p0 [sflag:s12], $0x5F0  }
0x58: {  	[sflag:s12] =	ssyncset.done @p0 $0x0  }
0x59: {  	[sflag:s12] =	ssyncadd.s32 @p0 $0xFFFFFA10  }
0x5a: {  	[tilespmem:s20], [sflag:$0x3] =	stream.linear.gather @!p0 [hbm4b:s6+s20], $0x618, $0x38;
	[tilespmem:$0x1900] =	vst v63  }
0x5b: {  	_ =	swait.ge @!p0 [sflag:s18], $0x618  }
0x5c: {  	[sflag:s18] =	ssyncset.done @!p0 $0x0  }
0x5d: {  	[sflag:s18] =	ssyncadd.s32 @!p0 $0xFFFFF9E8  }
0x5e: {  	[tilespmem:s22], [sflag:$0x1] =	stream.indirect.gather @!p0 [hbm4b:s2+s21], $0x1, s20, s21, $0xb8;
	[tilespmem:$0x1900] =	vst v63  }
0x5f: {  	_ = 	snop  }
0x60: {  	[tilespmem:s21], [sflag:$0x3] =	stream.linear.gather @!p0 [hbm4b:s5+s20], $0x620, $0x38;
	[tilespmem:$0x1900] =	vst v63  }
0x61: {  	_ =	swait.ge @!p0 [sflag:s18], $0x620  }
0x62: {  	[sflag:s18] =	ssyncset.done @!p0 $0x0  }
0x63: {  	[sflag:s18] =	ssyncadd.s32 @!p0 $0xFFFFF9E0  }
0x64: {  	[tilespmem:s25], [sflag:$0x2] =	stream.indirect.gather @!p0 [hbm4b:s2+s24], $0x1, s21, s24, $0xb8;
	[tilespmem:$0x1900] =	vst v63  }
0x65: {  	_ =	swait.ge @!p0 [sflag:s23], $0x618  }
0x66: {  	[sflag:s23] =	ssyncset.done @!p0 $0x0  }
0x67: {  	[sflag:s23] =	ssyncadd.s32 @!p0 $0xFFFFF9E8  }
0x68: {  	[hbm4b:s4+s20] =	stream.linear.scatter @!p0 [tilespmem:s22], [sflag:$0x3], $0x618, $0x38;
	[tilespmem:$0x1900] =	vst v63  }
0x69: {  	_ =	swait.ge @!p0 [sflag:s18], $0x618  }
0x6a: {  	[sflag:s18] =	ssyncset.done @!p0 $0x0  }
0x6b: {  	[sflag:s18] =	ssyncadd.s32 @!p0 $0xFFFFF9E8  }
0x6c: {  	_ =	swait.ge @!p0 [sflag:s26], $0x620  }
.Ltmp2:
0x6d: {  	[sflag:s26] =	ssyncset.done @!p0 $0x0;
	(pc) =	sbr.rel @p2 .LBB2_2-.Ltmp2, $4  }
0x6e: {  	[sflag:s26] =	ssyncadd.s32 @!p0 $0xFFFFF9E0  }
0x6f: {  	[hbm4b:s3+s20] =	stream.linear.scatter @!p0 [tilespmem:s25], [sflag:$0x3], $0x620, $0x38;
	[tilespmem:$0x1900] =	vst v63  }
0x70: {  	_ =	swait.ge @!p0 [sflag:s18], $0x620  }
0x71: {  	[sflag:s18] =	ssyncset.done @!p0 $0x0  }
.LBB2_3:
0x72: {  	p1 =	por p0, !p1  }
0x73: {  	s11 =	simm.s32 @p0 $0x0;
	s12 =	simm.s32 @p0 $0x3;
	[sflag:s18] =	ssyncadd.s32 @!p1 $0xFFFFF9E0  }
0x74: {  	[tilespmem:s11], [sflag:$0x3] =	stream.linear.gather @p0 [hbm4b:s10+s11], $0x5E8, $0x38;
	[tilespmem:$0x1900] =	vst v63  }
0x75: {  	_ =	swait.ge @p0 [sflag:s12], $0x5E8  }
0x76: {  	[sflag:s12] =	ssyncset.done @p0 $0x0  }
0x77: {  	s13 =	simm.s32 @p0 $0xC80;
	s10 =	simm.s32 @p0 $0x5E8;
	[sflag:s12] =	ssyncadd.s32 @p0 $0xFFFFFA18  }
0x78: {  	[tilespmem:s13], [sflag:$0x1] =	stream.indirect.gather @p0 [hbm4b:s2+s10], $0x1, s11, s10, $0xb8;
	[tilespmem:$0x1900] =	vst v63  }
0x79: {  	_ = 	snop  }
0x7a: {  	[tilespmem:s10], [sflag:$0x3] =	stream.linear.gather @p0 [hbm4b:s9+s11], $0x5F0, $0x38;
	[tilespmem:$0x1900] =	vst v63  }
0x7b: {  	_ =	swait.ge @p0 [sflag:s12], $0x5F0  }
0x7c: {  	s14 =	simm.s32 @p0 $0x5F0;
	[sflag:s12] =	ssyncset.done @p0 $0x0  }
0x7d: {  	s15 =	simm.s32 @p0 $0x1268;
	s9 =	simm.s32 @p0 $0x1;
	[sflag:s12] =	ssyncadd.s32 @p0 $0xFFFFFA10  }
0x7e: {  	[tilespmem:s15], [sflag:$0x2] =	stream.indirect.gather @p0 [hbm4b:s2+s14], $0x1, s10, s14, $0xb8;
	[tilespmem:$0x1900] =	vst v63  }
0x7f: {  	_ =	swait.ge @p0 [sflag:s9], $0x5E8  }
0x80: {  	[sflag:s9] =	ssyncset.done @p0 $0x0  }
0x81: {  	[sflag:s9] =	ssyncadd.s32 @p0 $0xFFFFFA18  }
0x82: {  	[hbm4b:s8+s11] =	stream.linear.scatter @p0 [tilespmem:s13], [sflag:$0x3], $0x5E8, $0x38;
	[tilespmem:$0x1900] =	vst v63  }
0x83: {  	_ =	swait.ge @p0 [sflag:s12], $0x5E8  }
0x84: {  	[sflag:s12] =	ssyncset.done @p0 $0x0  }
0x85: {  	s8 =	simm.s32 @p0 $0x2;
	[sflag:s12] =	ssyncadd.s32 @p0 $0xFFFFFA18  }
0x86: {  	_ =	swait.ge @p0 [sflag:s8], $0x5F0  }
0x87: {  	[sflag:s8] =	ssyncset.done @p0 $0x0  }
0x88: {  	[sflag:s8] =	ssyncadd.s32 @p0 $0xFFFFFA10  }
0x89: {  	[hbm4b:s7+s11] =	stream.linear.scatter @p0 [tilespmem:s15], [sflag:$0x3], $0x5F0, $0x38;
	[tilespmem:$0x1900] =	vst v63  }
0x8a: {  	_ =	swait.ge @p0 [sflag:s12], $0x5F0  }
0x8b: {  	[sflag:s12] =	ssyncset.done @p0 $0x0  }
0x8c: {  	s8 =	simm.s32 @!p0 $0x3;
	s7 =	simm.s32 @!p0 $0x0;
	[sflag:s12] =	ssyncadd.s32 @p0 $0xFFFFFA10  }
0x8d: {  	[tilespmem:s7], [sflag:$0x3] =	stream.linear.gather @!p0 [hbm4b:s6+s7], $0x618, $0x38;
	[tilespmem:$0x1900] =	vst v63  }
0x8e: {  	_ =	swait.ge @!p0 [sflag:s8], $0x618  }
0x8f: {  	[sflag:s8] =	ssyncset.done @!p0 $0x0  }
0x90: {  	s9 =	simm.s32 @!p0 $0xC80;
	s6 =	simm.s32 @!p0 $0x618;
	[sflag:s8] =	ssyncadd.s32 @!p0 $0xFFFFF9E8  }
0x91: {  	[tilespmem:s9], [sflag:$0x1] =	stream.indirect.gather @!p0 [hbm4b:s2+s6], $0x1, s7, s6, $0xb8;
	[tilespmem:$0x1900] =	vst v63  }
0x92: {  	_ = 	snop  }
0x93: {  	[tilespmem:s6], [sflag:$0x3] =	stream.linear.gather @!p0 [hbm4b:s5+s7], $0x620, $0x38;
	[tilespmem:$0x1900] =	vst v63  }
0x94: {  	_ =	swait.ge @!p0 [sflag:s8], $0x620  }
0x95: {  	s10 =	simm.s32 @!p0 $0x620;
	[sflag:s8] =	ssyncset.done @!p0 $0x0  }
0x96: {  	s11 =	simm.s32 @!p0 $0x1298;
	s5 =	simm.s32 @!p0 $0x1;
	[sflag:s8] =	ssyncadd.s32 @!p0 $0xFFFFF9E0  }
0x97: {  	[tilespmem:s11], [sflag:$0x2] =	stream.indirect.gather @!p0 [hbm4b:s2+s10], $0x1, s6, s10, $0xb8;
	[tilespmem:$0x1900] =	vst v63  }
0x98: {  	_ =	swait.ge @!p0 [sflag:s5], $0x618  }
0x99: {  	[sflag:s5] =	ssyncset.done @!p0 $0x0  }
0x9a: {  	[sflag:s5] =	ssyncadd.s32 @!p0 $0xFFFFF9E8  }
0x9b: {  	[hbm4b:s4+s7] =	stream.linear.scatter @!p0 [tilespmem:s9], [sflag:$0x3], $0x618, $0x38;
	[tilespmem:$0x1900] =	vst v63  }
0x9c: {  	_ =	swait.ge @!p0 [sflag:s8], $0x618  }
0x9d: {  	[sflag:s8] =	ssyncset.done @!p0 $0x0  }
0x9e: {  	s2 =	simm.s32 @!p0 $0x2;
	[sflag:s8] =	ssyncadd.s32 @!p0 $0xFFFFF9E8  }
0x9f: {  	_ =	swait.ge @!p0 [sflag:s2], $0x620  }
0xa0: {  	[sflag:s2] =	ssyncset.done @!p0 $0x0  }
0xa1: {  	[sflag:s2] =	ssyncadd.s32 @!p0 $0xFFFFF9E0  }
0xa2: {  	[hbm4b:s3+s7] =	stream.linear.scatter @!p0 [tilespmem:s11], [sflag:$0x3], $0x620, $0x38;
	[tilespmem:$0x1900] =	vst v63  }
0xa3: {  	_ =	swait.ge @!p0 [sflag:s8], $0x620  }
0xa4: {  	[sflag:s8] =	ssyncset.done @!p0 $0x0  }
0xa5: {  	[sflag:s8] =	ssyncadd.s32 @!p0 $0xFFFFF9E0  }
0xa6: {  	_ =	sfence.sel $0x180000  }
0xa7: {  	[bflag:$0x0] =	sbarrier.arrive $0xFFFF  }
0xa8: {  	p0 =	sne.s32 s1, $0x0;
	_ =	strace $0x9000004A  }
0xa9: {  	s0 =	sadd.s32 @!p0 $0x100000, s0;
	[bflag:$0x2] =	sbarrier.arrive $0xFFFF  }
0xaa: {  	[sflag:s0] =	ssyncadd.tile.s32 @!p0 $0x1;
	_ =	shalt  }
.Lfunc_end2:
_tile_overlayer_lowered:
.L_overlay_start_2:
0xab: {  	(tag) =	ssettag $0x2  }
0xac: {  	s0 =	rddreg [dreg:$0x0];
	s2 =	stileid.u32  }
0xad: {  	s1 =	rddreg [dreg:$0x1];
	p0 =	sne.s32 s2, $0x0  }
0xae: {  	s3 =	rddreg [dreg:$0x2];
	[bflag:$0x3] =	sbarrier.arrive $0xFFFF;
	s2 =	simm.s32 @!p0 $0x1C03  }
0xaf: {  	[timem:s3], [sflag:s2] =	dma.local @!p0 [hbm:s0], s1  }
0xb0: {  	s0 =	simm.s32 @!p0 $0x3  }
0xb1: {  	_ =	swait.ge @!p0 [sflag:s0], s1  }
0xb2: {  	s1 =	ssub.s32 @!p0 $0x0, s1;
	[sflag:s0] =	ssyncset.done @!p0 $0x0  }
0xb3: {  	[sflag:s0] =	ssyncadd.s32 @!p0 s1  }
0xb4: {  	[bflag:$0x3] =	sbarrier.arrive $0xFFFF  }
0xb5: {  	_ =	shalt  }

// kernel: holdout_gather_x.3.cloned.1.call-start
scs
__scs_entry_jumppad:
0x0: {  	(pc) =	sbr.rel $0x88, $3  }
0x1: {  	(tag) =	ssettag $0x0;
	lr =	simm.s32 $0x1  }
0x2: {  	[smem:$0x3F9E] =	sst lr;
	_ =	strace $0xD0000000  }
0x3: {  	_ = 	snop  }
0x4: {  	_ = 	snop  }
0x5: {  	_ = 	snop  }
0x6: {  	_ = 	snop  }
0x7: {  	_ = 	snop  }
__scs_overlays_trampoline_lowered:
0x8: {  	[smem:$0x3FAD] =	sst s0  }
0x9: {  	[smem:$0x3FAE] =	sst s1  }
0xa: {  	[smem:$0x3FAF] =	sst s2  }
0xb: {  	[smem:$0x3FB0] =	sst s3  }
0xc: {  	[smem:$0x3FB1] =	sst s4  }
0xd: {  	[smem:$0x3FB2] =	sst s5  }
0xe: {  	[smem:$0x3FB3] =	sst s6  }
0xf: {  	[smem:$0x3FB4] =	sst s7  }
0x10: {  	[smem:$0x3FB5] =	sst s8  }
0x11: {  	[smem:$0x3FB6] =	sst s9;
	s0 =	simm.s32 @!p0 $0x0  }
0x12: {  	s1 =	sld [smem:$0x3F9C];
	s0 =	simm.s32 @p0 $0x1  }
0x13: {  	[smem:$0x3FB7] =	sst s0;
	s0 =	simm.s32 @!p1 $0x0  }
0x14: {  	s2 =	sld [smem:$0x3F9B];
	s0 =	simm.s32 @p1 $0x1  }
0x15: {  	[smem:$0x3FB8] =	sst s0;
	s0 =	simm.s32 @!p2 $0x0  }
0x16: {  	s3 =	sld [smem:$0x3FDB];
	s0 =	simm.s32 @p2 $0x1  }
0x17: {  	s4 =	simm.s32 $0x1BF5;
	[smem:$0x3FBA] =	sst s0  }
0x18: {  	s0 =	sld [smem:$0x3F9D];
	_ =	swait.ge [sflag:s4], $0x0  }
0x19: {  	s7 =	sld [smem:$0x3F9E]  }
0x1a: {  	s8 =	sadd.s32 $0xFFFFE003, lr  }
0x1b: {  	s9 =	sadd.s32 $0xFFFFFEF7, lr;
	s5 =	simm.s32 $0xFFFFFFFF;
	p2 =	slt.u32 s8, $0xFFFFF086  }
0x1c: {  	p1 =	slt.u32 s9, $0xF7A;
	s5 =	simm.s32 @!p2 $0x0  }
0x1d: {  	s5 =	simm.s32 @p1 $0x1;
	p0 =	seq.s32 s7, s2  }
0x1e: {  	s7 =	smul.u32 @!p0 $0xF7A, s2;
	p2 =	seq.s32 @!p0 s5, $0x0  }
0x1f: {  	s9 =	smul.u32 $0xF7A, s1;
	s8 =	simm.s32 @!p0 $0x1BF5;
	p2 =	por !p2, p0  }
0x20: {  	[sflag:s8] =	ssyncset.s32 @!p0 $0xFFFFF086;
	s6 =	sadd.s32 @!p0 s3, s7;
	s7 =	simm.s32 @!p0 $0x108  }
0x21: {  	s3 =	sadd.s32 s3, s9;
	s6 =	sadd.s32 @!p0 $0x88, s6;
	s7 =	simm.s32 @p2 $0x1082  }
0x22: {  	[simem:s7], [sflag:s8] =	dma.local @!p0 [hbm:s6], $0xF7A  }
0x23: {  	s9 =	sor.u32 $0xD0000000, s2;
	s6 =	simm.s32 $0x108;
	_ =	swait.ge @!p0 [sflag:s8], $0x0  }
0x24: {  	s3 =	sadd.s32 $0x88, s3;
	s6 =	simm.s32 @!p1 $0x1082;
	[sflag:s4] =	ssyncset.s32 $0xFFFFF086  }
0x25: {  	[simem:s6], [sflag:s4] =	dma.local [hbm:s3], $0xF7A  }
0x26: {  	[smem:$0x3F9E] =	sst s1;
	(tag) =	ssettag s2;
	_ =	strace s9  }
0x27: {  	s1 =	sld [smem:$0x3FAE]  }
0x28: {  	s2 =	sld [smem:$0x3FAF]  }
0x29: {  	s4 =	sld [smem:$0x3FB1]  }
0x2a: {  	p0 =	seq.s32 s5, $0x0;
	s5 =	sld [smem:$0x3FB2]  }
0x2b: {  	s6 =	sld [smem:$0x3FB3]  }
0x2c: {  	s7 =	sld [smem:$0x3FB4]  }
0x2d: {  	s3 =	simm.s32 $0x108;
	s8 =	sld [smem:$0x3FB5]  }
0x2e: {  	s3 =	simm.s32 @!p0 $0x1082;
	s9 =	sld [smem:$0x3FB6]  }
0x2f: {  	lr =	sadd.s32 s0, s3;
	s0 =	sld [smem:$0x3FAD]  }
0x30: {  	s3 =	sld [smem:$0x3FB0]  }
0x31: {  	[smem:$0x3FB9] =	sst s10  }
0x32: {  	s10 =	sld [smem:$0x3FB7];
	_ =	sdelay $0x3  }
0x33: {  	p0 =	seq.s32 s10, $0x1;
	s10 =	sld [smem:$0x3FB9];
	_ =	sdelay $0x3  }
0x34: {  	[smem:$0x3FB9] =	sst s10  }
0x35: {  	s10 =	sld [smem:$0x3FB8];
	_ =	sdelay $0x3  }
0x36: {  	p1 =	seq.s32 s10, $0x1;
	s10 =	sld [smem:$0x3FB9];
	_ =	sdelay $0x3  }
0x37: {  	[smem:$0x3FB9] =	sst s10  }
0x38: {  	s10 =	sld [smem:$0x3FBA]  }
0x39: {  	_ = 	snop;
	(pc) =	sbr.ind lr, $3  }
0x3a: {  	_ = 	snop  }
0x3b: {  	_ = 	snop  }
0x3c: {  	p2 =	seq.s32 s10, $0x1;
	s10 =	sld [smem:$0x3FB9]  }
0x3d: {  	_ =	shalt  }
0x3e: {  	_ =	shalt  }
0x3f: {  	_ =	shalt  }
0x40: {  	_ =	shalt  }
0x41: {  	_ =	shalt  }
0x42: {  	_ =	shalt  }
0x43: {  	_ =	shalt  }
0x44: {  	_ =	shalt  }
0x45: {  	_ =	shalt  }
0x46: {  	_ =	shalt  }
0x47: {  	_ =	shalt  }
0x48: {  	_ =	shalt  }
0x49: {  	_ =	shalt  }
0x4a: {  	_ =	shalt  }
0x4b: {  	_ =	shalt  }
0x4c: {  	_ =	shalt  }
0x4d: {  	_ =	shalt  }
0x4e: {  	_ =	shalt  }
0x4f: {  	_ =	shalt  }
0x50: {  	_ =	shalt  }
0x51: {  	_ =	shalt  }
0x52: {  	_ =	shalt  }
0x53: {  	_ =	shalt  }
0x54: {  	_ =	shalt  }
0x55: {  	_ =	shalt  }
0x56: {  	_ =	shalt  }
0x57: {  	_ =	shalt  }
0x58: {  	_ =	shalt  }
0x59: {  	_ =	shalt  }
0x5a: {  	_ =	shalt  }
0x5b: {  	_ =	shalt  }
0x5c: {  	_ =	shalt  }
0x5d: {  	_ =	shalt  }
0x5e: {  	_ =	shalt  }
0x5f: {  	_ =	shalt  }
0x60: {  	_ =	shalt  }
0x61: {  	_ =	shalt  }
0x62: {  	_ =	shalt  }
0x63: {  	_ =	shalt  }
0x64: {  	_ =	shalt  }
0x65: {  	_ =	shalt  }
0x66: {  	_ =	shalt  }
0x67: {  	_ =	shalt  }
0x68: {  	_ =	shalt  }
0x69: {  	_ =	shalt  }
0x6a: {  	_ =	shalt  }
0x6b: {  	_ =	shalt  }
0x6c: {  	_ =	shalt  }
0x6d: {  	_ =	shalt  }
0x6e: {  	_ =	shalt  }
0x6f: {  	_ =	shalt  }
0x70: {  	_ =	shalt  }
0x71: {  	_ =	shalt  }
0x72: {  	_ =	shalt  }
0x73: {  	_ =	shalt  }
0x74: {  	_ =	shalt  }
0x75: {  	_ =	shalt  }
0x76: {  	_ =	shalt  }
0x77: {  	_ =	shalt  }
0x78: {  	_ =	shalt  }
0x79: {  	_ =	shalt  }
0x7a: {  	_ =	shalt  }
0x7b: {  	_ =	shalt  }
0x7c: {  	_ =	shalt  }
0x7d: {  	_ =	shalt  }
0x7e: {  	_ =	shalt  }
0x7f: {  	_ =	shalt  }
0x80: {  	_ =	shalt  }
0x81: {  	_ =	shalt  }
0x82: {  	_ =	shalt  }
0x83: {  	_ =	shalt  }
0x84: {  	_ =	shalt  }
0x85: {  	_ =	shalt  }
0x86: {  	_ =	shalt  }
0x87: {  	_ =	shalt  }
.Lfunc_end0:
.L_simem_size_0:
called_computation.1_lowered:
.L_overlay_start_0:
0x88: {  	s2 =	sld [smem:$0x3FD9]  }
0x89: {  	s3 =	sld [smem:$0x3FFE];
	_ =	sdelay $0x1  }
0x8a: {  	s1 =	srdreg.scid  }
0x8b: {  	s0 =	sand.u32 $0x1, s1  }
0x8c: {  	s17 =	sshll.u32 s0, $0xA;
	s2 =	sadd.s32 s3, s2  }
0x8d: {  	s2 =	sadd.s32 s2, s17  }
0x8e: {  	[smem:$0x3FC5] =	sst s2  }
0x8f: {  	_ = 	snop  }
0x90: {  	s2 =	sld [smem:$0x3FC7];
	(tm) =	ssettm $0x1  }
0x91: {  	s18 =	sld [smem:$0x3FFB];
	_ =	sdelay $0x3  }
0x92: {  	_ =	strace s18  }
0x93: {  	s3 =	sld [smem:$0x3FFC];
	_ =	sdelay $0x3  }
0x94: {  	_ =	strace s3  }
0x95: {  	s3 =	sld [smem:$0x3FFD];
	_ =	sdelay $0x3  }
0x96: {  	_ =	strace s3  }
0x97: {  	_ =	strace $0x8FFFFFFF  }
0x98: {  	s19 =	sld [smem:$0x3FDB];
	_ =	sdelay $0x1  }
0x99: {  	s4 =	simm.s32 $_scs_section_size  }
0x9a: {  	s5 =	simm.s32 $_size__tile_overlayer_lowered;
	s6 =	simm.s32 $_tile_overlayer_lowered  }
0x9b: {  	s22 =	simm.s32 $0x1BFF;
	s21 =	sshll.u32 s6, $0x1;
	s3 =	sadd.s32 s4, s19  }
0x9c: {  	s7 =	simm.s32 $0x0;
	s20 =	sshll.u32 s5, $0x1;
	s5 =	sadd.s32 s21, s3  }
0x9d: {  	[timem:s7], [sflag:s22] =	dma.local [hbm:s5], s20  }
0x9e: {  	_ =	swait.ge [sflag:s22], s20  }
0x9f: {  	s4 =	ssub.s32 $0x0, s20;
	[sflag:s22] =	ssyncset.done $0x0  }
0xa0: {  	[sflag:s22] =	ssyncadd.s32 s4;
	_ =	sdelay $0x1  }
0xa1: {  	s23 =	simm.s32 $0x1B8B  }
0xa2: {  	_ =	swait.ge [sflag:s23], $0x1  }
0xa3: {  	[sflag:s23] =	ssyncset.done $0x0  }
0xa4: {  	s25 =	simm.s32 $0x1B8E;
	s24 =	sld [smem:$0x3FFE];
	[sflag:s23] =	ssyncadd.s32 $0xFFFFFFFF  }
0xa5: {  	s26 =	simm.s32 $execute0_lowered;
	[smem:$0x3FD2] =	sst s25  }
0xa6: {  	s5 =	sshll.u32 s26, $0x1;
	_ =	strace $0x80000046;
	[dreg:$0x1] =	wrdreg $0xFFFFFFFF  }
0xa7: {  	s28 =	simm.s32 $_size_execute0_lowered;
	s3 =	sadd.s32 s3, s5;
	[dreg:$0x0] =	wrdreg $0x0  }
0xa8: {  	s5 =	sshll.u32 s28, $0x1;
	[dreg:$0x2] =	wrdreg s3  }
0xa9: {  	[dreg:$0x3] =	wrdreg s5  }
0xaa: {  	[dreg:$0x4] =	wrdreg $0xC0  }
0xab: {  	_ =	task [dreg:s7], $0x5FFFF  }
0xac: {  	[dreg:$0x1] =	wrdreg $0xFFFFFFFF  }
0xad: {  	[dreg:$0x0] =	wrdreg $0x60  }
0xae: {  	[dreg:$0x2] =	wrdreg s24  }
0xaf: {  	[dreg:$0x3] =	wrdreg s2  }
0xb0: {  	[dreg:$0x4] =	wrdreg $0xA  }
0xb1: {  	_ =	task.clear_ibuf [dreg:s7], $0x5FFFF;
	_ =	strace $0x90000046  }
0xb2: {  	s29 =	simm.s32 $0xA;
	_ =	strace $0x80000048  }
0xb3: {  	_ =	swait.ge [sflag:s29], $0x1  }
0xb4: {  	[sflag:s29] =	ssyncadd.s32 $0xFFFFFFFF  }
0xb5: {  	_ =	strace $0x90000048  }
0xb6: {  	_ =	sfence  }
0xb7: {  	s30 =	sld [smem:$0x0];
	_ =	sdelay $0x2  }
0xb8: {  	s31 =	sshll.u32 s1, $0xD;
	s1 =	sshrl.u32 s1, $0x2  }
0xb9: {  	s3 =	sand.u32 $0x4000, s31;
	s1 =	sadd.s32 s1, s30  }
0xba: {  	s0 =	sor.u32 s3, s0;
	s1 =	sshll.u32 s1, $0x11  }
0xbb: {  	s0 =	sor.u32 s1, s0  }
0xbc: {  	s0 =	sadd.s32 $0x8F2B, s0  }
0xbd: {  	[sflag:s0] =	ssyncadd.remote.s32 $0x1  }
0xbe: {  	_ =	sfence.sel $0xFFFF  }
0xbf: {  	[dreg:$0x0] =	wrdreg $0xFFFFFFFF;
	(pc) =	sbr.abs _section_cstart, $3  }
0xc0: {  	[dreg:$0x1] =	wrdreg $0xFFFFFFFF  }
0xc1: {  	_ =	task.clear_ibuf [dreg:s7], $0x2FFFF;
	_ =	strace $0x9FFFFFFF  }
0xc2: {  	(tm) =	ssettm $0x7FFFFFFF  }
0xc3: {  	_ =	shalt  }
tec
execute0_lowered:
.L_overlay_start_1:
0x0: {  	(tag) =	ssettag $0x1  }
0x1: {  	s2 =	srdreg.scid;
	s1 =	stileid.u32  }
0x2: {  	s4 =	sand.u32 $0x1, s2;
	s30 =	sshll.u32 s1, $0x1  }
0x3: {  	s11 =	sor.u32 s4, s30;
	s4 =	ssub.s32 $0x2, s4  }
0x4: {  	s7 =	rddreg [dreg:$0x0];
	s5 =	sshrl.u32 s4, $0x1  }
0x5: {  	s8 =	rddreg [dreg:$0x1];
	s12 =	ssub.s32 s4, s5  }
0x6: {  	s0 =	rddreg [dreg:$0x2];
	s3 =	simm.s32 $0x0;
	s12 =	smax.u32 s12, $0x1  }
0x7: {  	p1 =	por $0x0, $0x0;
	[smem:$0x7FF] =	sst s3;
	s28 =	sadd.s32 $0xFFFFFFFF, s12  }
0x8: {  	s2 =	sadd.s32 $0xA00, s7;
	s31 =	smul.u32 $0xC38, s11;
	p2 =	sne.s32 s28, $0x0  }
.Ltmp0:
0x9: {  	s9 =	sadd.s32 $0x1F400, s7;
	_ =	strace $0x80000047;
	(pc) =	sbr.rel @!p2 .LBB2_3-.Ltmp0, $4  }
0xa: {  	p0 =	seq.s32 s11, $0x1F;
	s10 =	sshrl.u32 s31, $0x3;
	s3 =	sadd.s32 $0x618, s31  }
0xb: {  	s6 =	sadd.s32 s8, s10;
	s3 =	sshrl.u32 s3, $0x3;
	s4 =	sadd.s32 s9, s10  }
0xc: {  	s10 =	sadd.s32 $0x2F59, s8;
	s5 =	sadd.s32 s8, s3;
	s3 =	sadd.s32 s9, s3  }
0xd: {  	s9 =	sadd.s32 $0x3016, s8;
	s8 =	sadd.s32 $0x22359, s7;
	s7 =	sadd.s32 $0x22416, s7  }
0xe: {  	s11 =	simm.s32 @p0 $0x0;
	s12 =	simm.s32 @p0 $0x3  }
0xf: {  	[tilespmem:s11], [sflag:$0x3] =	stream.linear.gather @p0 [hbm4b:s10+s11], $0x5E8, $0x38;
	[tilespmem:$0x1900] =	vst v63  }
0x10: {  	_ =	swait.ge @p0 [sflag:s12], $0x5E8  }
0x11: {  	[sflag:s12] =	ssyncset.done @p0 $0x0  }
0x12: {  	s13 =	simm.s32 @p0 $0x5E8;
	s14 =	simm.s32 @p0 $0xC80;
	[sflag:s12] =	ssyncadd.s32 @p0 $0xFFFFFA18  }
0x13: {  	[tilespmem:s14], [sflag:$0x1] =	stream.indirect.gather @p0 [hbm4b:s2+s13], $0x1, s11, s13, $0xb8;
	[tilespmem:$0x1900] =	vst v63  }
0x14: {  	_ = 	snop  }
0x15: {  	[tilespmem:s13], [sflag:$0x3] =	stream.linear.gather @p0 [hbm4b:s9+s11], $0x5F0, $0x38;
	[tilespmem:$0x1900] =	vst v63  }
0x16: {  	_ =	swait.ge @p0 [sflag:s12], $0x5F0  }
0x17: {  	s15 =	simm.s32 @p0 $0x1;
	[sflag:s12] =	ssyncset.done @p0 $0x0  }
0x18: {  	s16 =	simm.s32 @p0 $0x5F0;
	s17 =	simm.s32 @p0 $0x1268;
	[sflag:s12] =	ssyncadd.s32 @p0 $0xFFFFFA10  }
0x19: {  	[tilespmem:s17], [sflag:$0x2] =	stream.indirect.gather @p0 [hbm4b:s2+s16], $0x1, s13, s16, $0xb8;
	[tilespmem:$0x1900] =	vst v63  }
0x1a: {  	_ =	swait.ge @p0 [sflag:s15], $0x5E8  }
0x1b: {  	[sflag:s15] =	ssyncset.done @p0 $0x0  }
0x1c: {  	[sflag:s15] =	ssyncadd.s32 @p0 $0xFFFFFA18  }
0x1d: {  	[hbm4b:s8+s11] =	stream.linear.scatter @p0 [tilespmem:s14], [sflag:$0x3], $0x5E8, $0x38;
	[tilespmem:$0x1900] =	vst v63  }
0x1e: {  	_ =	swait.ge @p0 [sflag:s12], $0x5E8  }
0x1f: {  	[sflag:s12] =	ssyncset.done @p0 $0x0  }
0x20: {  	s19 =	simm.s32 @p0 $0x2;
	[sflag:s12] =	ssyncadd.s32 @p0 $0xFFFFFA18  }
0x21: {  	_ =	swait.ge @p0 [sflag:s19], $0x5F0  }
0x22: {  	[sflag:s19] =	ssyncset.done @p0 $0x0  }
0x23: {  	[sflag:s19] =	ssyncadd.s32 @p0 $0xFFFFFA10  }
0x24: {  	[hbm4b:s7+s11] =	stream.linear.scatter @p0 [tilespmem:s17], [sflag:$0x3], $0x5F0, $0x38;
	[tilespmem:$0x1900] =	vst v63  }
0x25: {  	_ =	swait.ge @p0 [sflag:s12], $0x5F0  }
0x26: {  	[sflag:s12] =	ssyncset.done @p0 $0x0  }
0x27: {  	s20 =	simm.s32 @!p0 $0x0;
	s18 =	simm.s32 @!p0 $0x3;
	[sflag:s12] =	ssyncadd.s32 @p0 $0xFFFFFA10  }
0x28: {  	[tilespmem:s20], [sflag:$0x3] =	stream.linear.gather @!p0 [hbm4b:s6+s20], $0x618, $0x38;
	[tilespmem:$0x1900] =	vst v63  }
0x29: {  	_ =	swait.ge @!p0 [sflag:s18], $0x618  }
0x2a: {  	[sflag:s18] =	ssyncset.done @!p0 $0x0  }
0x2b: {  	s21 =	simm.s32 @!p0 $0x618;
	s22 =	simm.s32 @!p0 $0xC80;
	[sflag:s18] =	ssyncadd.s32 @!p0 $0xFFFFF9E8  }
0x2c: {  	[tilespmem:s22], [sflag:$0x1] =	stream.indirect.gather @!p0 [hbm4b:s2+s21], $0x1, s20, s21, $0xb8;
	[tilespmem:$0x1900] =	vst v63  }
0x2d: {  	_ = 	snop  }
0x2e: {  	[tilespmem:s21], [sflag:$0x3] =	stream.linear.gather @!p0 [hbm4b:s5+s20], $0x620, $0x38;
	[tilespmem:$0x1900] =	vst v63  }
0x2f: {  	_ =	swait.ge @!p0 [sflag:s18], $0x620  }
0x30: {  	s23 =	simm.s32 @!p0 $0x1;
	[sflag:s18] =	ssyncset.done @!p0 $0x0  }
0x31: {  	s24 =	simm.s32 @!p0 $0x620;
	s25 =	simm.s32 @!p0 $0x1298;
	[sflag:s18] =	ssyncadd.s32 @!p0 $0xFFFFF9E0  }
0x32: {  	[tilespmem:s25], [sflag:$0x2] =	stream.indirect.gather @!p0 [hbm4b:s2+s24], $0x1, s21, s24, $0xb8;
	[tilespmem:$0x1900] =	vst v63  }
0x33: {  	_ =	swait.ge @!p0 [sflag:s23], $0x618  }
0x34: {  	[sflag:s23] =	ssyncset.done @!p0 $0x0  }
0x35: {  	[sflag:s23] =	ssyncadd.s32 @!p0 $0xFFFFF9E8  }
0x36: {  	[hbm4b:s4+s20] =	stream.linear.scatter @!p0 [tilespmem:s22], [sflag:$0x3], $0x618, $0x38;
	[tilespmem:$0x1900] =	vst v63  }
0x37: {  	_ =	swait.ge @!p0 [sflag:s18], $0x618  }
0x38: {  	[sflag:s18] =	ssyncset.done @!p0 $0x0  }
0x39: {  	s26 =	simm.s32 @!p0 $0x2;
	s28 =	sadd.s32 $0xFFFFFFFF, s28;
	[sflag:s18] =	ssyncadd.s32 @!p0 $0xFFFFF9E8  }
0x3a: {  	p2 =	sne.s32 s28, $0x0;
	_ =	swait.ge @!p0 [sflag:s26], $0x620  }
.Ltmp1:
0x3b: {  	[sflag:s26] =	ssyncset.done @!p0 $0x0;
	(pc) =	sbr.rel @!p2 .LBB2_3-.Ltmp1, $4  }
0x3c: {  	[sflag:s26] =	ssyncadd.s32 @!p0 $0xFFFFF9E0  }
0x3d: {  	[hbm4b:s3+s20] =	stream.linear.scatter @!p0 [tilespmem:s25], [sflag:$0x3], $0x620, $0x38;
	[tilespmem:$0x1900] =	vst v63  }
0x3e: {  	_ =	swait.ge @!p0 [sflag:s18], $0x620  }
0x3f: {  	p1 =	por $0x1, $0x1;
	[sflag:s18] =	ssyncset.done @!p0 $0x0  }
.LBB2_2:
0x40: {  	[sflag:s18] =	ssyncadd.s32 @!p0 $0xFFFFF9E0  }
0x41: {  	[tilespmem:s11], [sflag:$0x3] =	stream.linear.gather @p0 [hbm4b:s10+s11], $0x5E8, $0x38;
	[tilespmem:$0x1900] =	vst v63  }
0x42: {  	s28 =	sadd.s32 $0xFFFFFFFF, s28;
	_ =	swait.ge @p0 [sflag:s12], $0x5E8  }
0x43: {  	p2 =	sne.s32 s28, $0x0;
	[sflag:s12] =	ssyncset.done @p0 $0x0  }
0x44: {  	[sflag:s12] =	ssyncadd.s32 @p0 $0xFFFFFA18  }
0x45: {  	[tilespmem:s14], [sflag:$0x1] =	stream.indirect.gather @p0 [hbm4b:s2+s13], $0x1, s11, s13, $0xb8;
	[tilespmem:$0x1900] =	vst v63  }
0x46: {  	_ = 	snop  }
0x47: {  	[tilespmem:s13], [sflag:$0x3] =	stream.linear.gather @p0 [hbm4b:s9+s11], $0x5F0, $0x38;
	[tilespmem:$0x1900] =	vst v63  }
0x48: {  	_ =	swait.ge @p0 [sflag:s12], $0x5F0  }
0x49: {  	[sflag:s12] =	ssyncset.done @p0 $0x0  }
0x4a: {  	[sflag:s12] =	ssyncadd.s32 @p0 $0xFFFFFA10  }
0x4b: {  	[tilespmem:s17], [sflag:$0x2] =	stream.indirect.gather @p0 [hbm4b:s2+s16], $0x1, s13, s16, $0xb8;
	[tilespmem:$0x1900] =	vst v63  }
0x4c: {  	_ =	swait.ge @p0 [sflag:s15], $0x5E8  }
0x4d: {  	[sflag:s15] =	ssyncset.done @p0 $0x0  }
0x4e: {  	[sflag:s15] =	ssyncadd.s32 @p0 $0xFFFFFA18  }
0x4f: {  	[hbm4b:s8+s11] =	stream.linear.scatter @p0 [tilespmem:s14], [sflag:$0x3], $0x5E8, $0x38;
	[tilespmem:$0x1900] =	vst v63  }
0x50: {  	_ =	swait.ge @p0 [sflag:s12], $0x5E8  }
0x51: {  	[sflag:s12] =	ssyncset.done @p0 $0x0  }
0x52: {  	[sflag:s12] =	ssyncadd.s32 @p0 $0xFFFFFA18  }
0x53: {  	_ =	swait.ge @p0 [sflag:s19], $0x5F0  }
0x54: {  	[sflag:s19] =	ssyncset.done @p0 $0x0  }
0x55: {  	[sflag:s19] =	ssyncadd.s32 @p0 $0xFFFFFA10  }
0x56: {  	[hbm4b:s7+s11] =	stream.linear.scatter @p0 [tilespmem:s17], [sflag:$0x3], $0x5F0, $0x38;
	[tilespmem:$0x1900] =	vst v63  }
0x57: {  	_ =	swait.ge @p0 [sflag:s12], $0x5F0  }
0x58: {  	[sflag:s12] =	ssyncset.done @p0 $0x0  }
0x59: {  	[sflag:s12] =	ssyncadd.s32 @p0 $0xFFFFFA10  }
0x5a: {  	[tilespmem:s20], [sflag:$0x3] =	stream.linear.gather @!p0 [hbm4b:s6+s20], $0x618, $0x38;
	[tilespmem:$0x1900] =	vst v63  }
0x5b: {  	_ =	swait.ge @!p0 [sflag:s18], $0x618  }
0x5c: {  	[sflag:s18] =	ssyncset.done @!p0 $0x0  }
0x5d: {  	[sflag:s18] =	ssyncadd.s32 @!p0 $0xFFFFF9E8  }
0x5e: {  	[tilespmem:s22], [sflag:$0x1] =	stream.indirect.gather @!p0 [hbm4b:s2+s21], $0x1, s20, s21, $0xb8;
	[tilespmem:$0x1900] =	vst v63  }
0x5f: {  	_ = 	snop  }
0x60: {  	[tilespmem:s21], [sflag:$0x3] =	stream.linear.gather @!p0 [hbm4b:s5+s20], $0x620, $0x38;
	[tilespmem:$0x1900] =	vst v63  }
0x61: {  	_ =	swait.ge @!p0 [sflag:s18], $0x620  }
0x62: {  	[sflag:s18] =	ssyncset.done @!p0 $0x0  }
0x63: {  	[sflag:s18] =	ssyncadd.s32 @!p0 $0xFFFFF9E0  }
0x64: {  	[tilespmem:s25], [sflag:$0x2] =	stream.indirect.gather @!p0 [hbm4b:s2+s24], $0x1, s21, s24, $0xb8;
	[tilespmem:$0x1900] =	vst v63  }
0x65: {  	_ =	swait.ge @!p0 [sflag:s23], $0x618  }
0x66: {  	[sflag:s23] =	ssyncset.done @!p0 $0x0  }
0x67: {  	[sflag:s23] =	ssyncadd.s32 @!p0 $0xFFFFF9E8  }
0x68: {  	[hbm4b:s4+s20] =	stream.linear.scatter @!p0 [tilespmem:s22], [sflag:$0x3], $0x618, $0x38;
	[tilespmem:$0x1900] =	vst v63  }
0x69: {  	_ =	swait.ge @!p0 [sflag:s18], $0x618  }
0x6a: {  	[sflag:s18] =	ssyncset.done @!p0 $0x0  }
0x6b: {  	[sflag:s18] =	ssyncadd.s32 @!p0 $0xFFFFF9E8  }
0x6c: {  	_ =	swait.ge @!p0 [sflag:s26], $0x620  }
.Ltmp2:
0x6d: {  	[sflag:s26] =	ssyncset.done @!p0 $0x0;
	(pc) =	sbr.rel @p2 .LBB2_2-.Ltmp2, $4  }
0x6e: {  	[sflag:s26] =	ssyncadd.s32 @!p0 $0xFFFFF9E0  }
0x6f: {  	[hbm4b:s3+s20] =	stream.linear.scatter @!p0 [tilespmem:s25], [sflag:$0x3], $0x620, $0x38;
	[tilespmem:$0x1900] =	vst v63  }
0x70: {  	_ =	swait.ge @!p0 [sflag:s18], $0x620  }
0x71: {  	[sflag:s18] =	ssyncset.done @!p0 $0x0  }
.LBB2_3:
0x72: {  	p1 =	por p0, !p1  }
0x73: {  	s11 =	simm.s32 @p0 $0x0;
	s12 =	simm.s32 @p0 $0x3;
	[sflag:s18] =	ssyncadd.s32 @!p1 $0xFFFFF9E0  }
0x74: {  	[tilespmem:s11], [sflag:$0x3] =	stream.linear.gather @p0 [hbm4b:s10+s11], $0x5E8, $0x38;
	[tilespmem:$0x1900] =	vst v63  }
0x75: {  	_ =	swait.ge @p0 [sflag:s12], $0x5E8  }
0x76: {  	[sflag:s12] =	ssyncset.done @p0 $0x0  }
0x77: {  	s13 =	simm.s32 @p0 $0xC80;
	s10 =	simm.s32 @p0 $0x5E8;
	[sflag:s12] =	ssyncadd.s32 @p0 $0xFFFFFA18  }
0x78: {  	[tilespmem:s13], [sflag:$0x1] =	stream.indirect.gather @p0 [hbm4b:s2+s10], $0x1, s11, s10, $0xb8;
	[tilespmem:$0x1900] =	vst v63  }
0x79: {  	_ = 	snop  }
0x7a: {  	[tilespmem:s10], [sflag:$0x3] =	stream.linear.gather @p0 [hbm4b:s9+s11], $0x5F0, $0x38;
	[tilespmem:$0x1900] =	vst v63  }
0x7b: {  	_ =	swait.ge @p0 [sflag:s12], $0x5F0  }
0x7c: {  	s14 =	simm.s32 @p0 $0x5F0;
	[sflag:s12] =	ssyncset.done @p0 $0x0  }
0x7d: {  	s15 =	simm.s32 @p0 $0x1268;
	s9 =	simm.s32 @p0 $0x1;
	[sflag:s12] =	ssyncadd.s32 @p0 $0xFFFFFA10  }
0x7e: {  	[tilespmem:s15], [sflag:$0x2] =	stream.indirect.gather @p0 [hbm4b:s2+s14], $0x1, s10, s14, $0xb8;
	[tilespmem:$0x1900] =	vst v63  }
0x7f: {  	_ =	swait.ge @p0 [sflag:s9], $0x5E8  }
0x80: {  	[sflag:s9] =	ssyncset.done @p0 $0x0  }
0x81: {  	[sflag:s9] =	ssyncadd.s32 @p0 $0xFFFFFA18  }
0x82: {  	[hbm4b:s8+s11] =	stream.linear.scatter @p0 [tilespmem:s13], [sflag:$0x3], $0x5E8, $0x38;
	[tilespmem:$0x1900] =	vst v63  }
0x83: {  	_ =	swait.ge @p0 [sflag:s12], $0x5E8  }
0x84: {  	[sflag:s12] =	ssyncset.done @p0 $0x0  }
0x85: {  	s8 =	simm.s32 @p0 $0x2;
	[sflag:s12] =	ssyncadd.s32 @p0 $0xFFFFFA18  }
0x86: {  	_ =	swait.ge @p0 [sflag:s8], $0x5F0  }
0x87: {  	[sflag:s8] =	ssyncset.done @p0 $0x0  }
0x88: {  	[sflag:s8] =	ssyncadd.s32 @p0 $0xFFFFFA10  }
0x89: {  	[hbm4b:s7+s11] =	stream.linear.scatter @p0 [tilespmem:s15], [sflag:$0x3], $0x5F0, $0x38;
	[tilespmem:$0x1900] =	vst v63  }
0x8a: {  	_ =	swait.ge @p0 [sflag:s12], $0x5F0  }
0x8b: {  	[sflag:s12] =	ssyncset.done @p0 $0x0  }
0x8c: {  	s8 =	simm.s32 @!p0 $0x3;
	s7 =	simm.s32 @!p0 $0x0;
	[sflag:s12] =	ssyncadd.s32 @p0 $0xFFFFFA10  }
0x8d: {  	[tilespmem:s7], [sflag:$0x3] =	stream.linear.gather @!p0 [hbm4b:s6+s7], $0x618, $0x38;
	[tilespmem:$0x1900] =	vst v63  }
0x8e: {  	_ =	swait.ge @!p0 [sflag:s8], $0x618  }
0x8f: {  	[sflag:s8] =	ssyncset.done @!p0 $0x0  }
0x90: {  	s9 =	simm.s32 @!p0 $0xC80;
	s6 =	simm.s32 @!p0 $0x618;
	[sflag:s8] =	ssyncadd.s32 @!p0 $0xFFFFF9E8  }
0x91: {  	[tilespmem:s9], [sflag:$0x1] =	stream.indirect.gather @!p0 [hbm4b:s2+s6], $0x1, s7, s6, $0xb8;
	[tilespmem:$0x1900] =	vst v63  }
0x92: {  	_ = 	snop  }
0x93: {  	[tilespmem:s6], [sflag:$0x3] =	stream.linear.gather @!p0 [hbm4b:s5+s7], $0x620, $0x38;
	[tilespmem:$0x1900] =	vst v63  }
0x94: {  	_ =	swait.ge @!p0 [sflag:s8], $0x620  }
0x95: {  	s10 =	simm.s32 @!p0 $0x620;
	[sflag:s8] =	ssyncset.done @!p0 $0x0  }
0x96: {  	s11 =	simm.s32 @!p0 $0x1298;
	s5 =	simm.s32 @!p0 $0x1;
	[sflag:s8] =	ssyncadd.s32 @!p0 $0xFFFFF9E0  }
0x97: {  	[tilespmem:s11], [sflag:$0x2] =	stream.indirect.gather @!p0 [hbm4b:s2+s10], $0x1, s6, s10, $0xb8;
	[tilespmem:$0x1900] =	vst v63  }
0x98: {  	_ =	swait.ge @!p0 [sflag:s5], $0x618  }
0x99: {  	[sflag:s5] =	ssyncset.done @!p0 $0x0  }
0x9a: {  	[sflag:s5] =	ssyncadd.s32 @!p0 $0xFFFFF9E8  }
0x9b: {  	[hbm4b:s4+s7] =	stream.linear.scatter @!p0 [tilespmem:s9], [sflag:$0x3], $0x618, $0x38;
	[tilespmem:$0x1900] =	vst v63  }
0x9c: {  	_ =	swait.ge @!p0 [sflag:s8], $0x618  }
0x9d: {  	[sflag:s8] =	ssyncset.done @!p0 $0x0  }
0x9e: {  	s2 =	simm.s32 @!p0 $0x2;
	[sflag:s8] =	ssyncadd.s32 @!p0 $0xFFFFF9E8  }
0x9f: {  	_ =	swait.ge @!p0 [sflag:s2], $0x620  }
0xa0: {  	[sflag:s2] =	ssyncset.done @!p0 $0x0  }
0xa1: {  	[sflag:s2] =	ssyncadd.s32 @!p0 $0xFFFFF9E0  }
0xa2: {  	[hbm4b:s3+s7] =	stream.linear.scatter @!p0 [tilespmem:s11], [sflag:$0x3], $0x620, $0x38;
	[tilespmem:$0x1900] =	vst v63  }
0xa3: {  	_ =	swait.ge @!p0 [sflag:s8], $0x620  }
0xa4: {  	[sflag:s8] =	ssyncset.done @!p0 $0x0  }
0xa5: {  	[sflag:s8] =	ssyncadd.s32 @!p0 $0xFFFFF9E0  }
0xa6: {  	_ =	sfence.sel $0x180000  }
0xa7: {  	[bflag:$0x0] =	sbarrier.arrive $0xFFFF  }
0xa8: {  	p0 =	sne.s32 s1, $0x0;
	_ =	strace $0x90000047  }
0xa9: {  	s0 =	sadd.s32 @!p0 $0x100000, s0;
	[bflag:$0x2] =	sbarrier.arrive $0xFFFF  }
0xaa: {  	[sflag:s0] =	ssyncadd.tile.s32 @!p0 $0x1;
	_ =	shalt  }
.Lfunc_end2:
_tile_overlayer_lowered:
.L_overlay_start_2:
0xab: {  	(tag) =	ssettag $0x2  }
0xac: {  	s0 =	rddreg [dreg:$0x0];
	s2 =	stileid.u32  }
0xad: {  	s1 =	rddreg [dreg:$0x1];
	p0 =	sne.s32 s2, $0x0  }
0xae: {  	s3 =	rddreg [dreg:$0x2];
	[bflag:$0x3] =	sbarrier.arrive $0xFFFF;
	s2 =	simm.s32 @!p0 $0x1C03  }
0xaf: {  	[timem:s3], [sflag:s2] =	dma.local @!p0 [hbm:s0], s1  }
0xb0: {  	s0 =	simm.s32 @!p0 $0x3  }
0xb1: {  	_ =	swait.ge @!p0 [sflag:s0], s1  }
0xb2: {  	s1 =	ssub.s32 @!p0 $0x0, s1;
	[sflag:s0] =	ssyncset.done @!p0 $0x0  }
0xb3: {  	[sflag:s0] =	ssyncadd.s32 @!p0 s1  }
0xb4: {  	[bflag:$0x3] =	sbarrier.arrive $0xFFFF  }
0xb5: {  	_ =	shalt  }

</sc_bundles>
